<compile_context>
chip_gen: v7x
topology: tpu7x:2x2x1
jax: 0.10.2.dev20260603
libtpu: 0.0.44.dev20260713+nightly
codegen_flags: <defaults>
</compile_context>

<pallas_src>
import functools

import jax
import jax.numpy as jnp
from jax import lax
from jax.experimental import pallas as pl
from jax.experimental.pallas import tpu as pltpu
from jax.experimental.pallas import tpu_sc as plsc

N = 10000
E = 320000
D = 128

NC = 2
NS = 16
NW = NC * NS
EPW = E // NW
CH = 125
NCHUNK = EPW // CH
HALF = NCHUNK // 2
NP = 10240
RPT = NP // NS


def _seg_sum_partials(h, src3, dst3, zeros):
    mesh = plsc.VectorSubcoreMesh(core_axis_name="c", subcore_axis_name="s")

    @functools.partial(
        pl.kernel,
        out_type=jax.ShapeDtypeStruct((NC, NP, D), jnp.float32),
        mesh=mesh,
        scratch_types=[
            pltpu.VMEM((HALF, CH), jnp.int32),
            pltpu.VMEM((HALF, CH), jnp.int32),
            pltpu.VMEM((CH, D), jnp.float32),
            pltpu.VMEM((CH, D), jnp.float32),
            pltpu.VMEM_SHARED((NP, D), jnp.float32),
            pltpu.SemaphoreType.DMA,
            pltpu.SemaphoreType.DMA,
            pltpu.SemaphoreType.DMA,
            pltpu.SemaphoreType.DMA,
        ],
    )
    def k(h_hbm, src_hbm, dst_hbm, z_hbm, out_hbm,
          src_v, dst_v, buf_a, buf_b, acc, sem_ga, sem_gb, sem_sa, sem_sb):
        cid = lax.axis_index("c")
        sid = lax.axis_index("s")
        wid = cid * NS + sid

        pltpu.sync_copy(z_hbm.at[pl.ds(sid * RPT, RPT)],
                        acc.at[pl.ds(sid * RPT, RPT)])
        plsc.subcore_barrier()

        def step(j, buf, sem_g, sem_s, prev_buf, prev_sem_g, prev_sem_s):
            pltpu.make_async_copy(h_hbm.at[src_v.at[j]], buf, sem_g).wait()

            @pl.when(j + 1 < HALF)
            def _():
                pltpu.async_copy(h_hbm.at[src_v.at[j + 1]], prev_buf,
                                 prev_sem_g)

            pltpu.async_copy(buf, acc.at[dst_v.at[j]], sem_s, add=True).wait()

        for p in range(NCHUNK // HALF):
            pltpu.sync_copy(src_hbm.at[wid, pl.ds(p * HALF, HALF)], src_v)
            pltpu.sync_copy(dst_hbm.at[wid, pl.ds(p * HALF, HALF)], dst_v)
            pltpu.async_copy(h_hbm.at[src_v.at[0]], buf_a, sem_ga)

            def body(j2, _):
                step(2 * j2, buf_a, sem_ga, sem_sa, buf_b, sem_gb, sem_sb)
                step(2 * j2 + 1, buf_b, sem_gb, sem_sb, buf_a, sem_ga, sem_sa)
                return 0

            lax.fori_loop(0, HALF // 2, body, 0)
        plsc.subcore_barrier()
        pltpu.sync_copy(acc.at[pl.ds(sid * RPT, RPT)],
                        out_hbm.at[cid, pl.ds(sid * RPT, RPT)])

    return k(h, src3, dst3, zeros)


def _elu(v):
    return jnp.where(v > 0, v, jnp.exp(jnp.minimum(v, 0.0)) - 1.0)


BN = 1000


def _res_layer(h, Wr, br):

    def body(h_ref, wr_ref, br_ref, o_ref):
        o_ref[...] = _elu(jnp.dot(h_ref[...], wr_ref[...],
                                  preferred_element_type=jnp.float32)
                          + br_ref[...])

    return pl.pallas_call(
        body,
        grid=(N // BN,),
        in_specs=[
            pl.BlockSpec((BN, D), lambda i: (i, 0)),
            pl.BlockSpec((D, D), lambda i: (0, 0)),
            pl.BlockSpec((1, D), lambda i: (0, 0)),
        ],
        out_specs=pl.BlockSpec((BN, D), lambda i: (i, 0)),
        out_shape=jax.ShapeDtypeStruct((N, D), jnp.float32),
    )(h, Wr, br)


def _combine_layer(p, res, W, b, Wrn, brn):

    def body(p_ref, r_ref, w_ref, b_ref, wrn_ref, brn_ref, o_ref, rn_ref):
        m = p_ref[0] + p_ref[1]
        h1 = _elu(jnp.dot(m, w_ref[...], preferred_element_type=jnp.float32)
                  + b_ref[...]) + r_ref[...]
        o_ref[...] = h1
        rn_ref[...] = _elu(jnp.dot(h1, wrn_ref[...],
                                   preferred_element_type=jnp.float32)
                           + brn_ref[...])

    return pl.pallas_call(
        body,
        grid=(N // BN,),
        in_specs=[
            pl.BlockSpec((NC, BN, D), lambda i: (0, i, 0)),
            pl.BlockSpec((BN, D), lambda i: (i, 0)),
            pl.BlockSpec((D, D), lambda i: (0, 0)),
            pl.BlockSpec((1, D), lambda i: (0, 0)),
            pl.BlockSpec((D, D), lambda i: (0, 0)),
            pl.BlockSpec((1, D), lambda i: (0, 0)),
        ],
        out_specs=[
            pl.BlockSpec((BN, D), lambda i: (i, 0)),
            pl.BlockSpec((BN, D), lambda i: (i, 0)),
        ],
        out_shape=[
            jax.ShapeDtypeStruct((N, D), jnp.float32),
            jax.ShapeDtypeStruct((N, D), jnp.float32),
        ],
    )(p, res, W, b, Wrn, brn)


def _dense2_readout(p, res, W, b, Wgp, bgp, Wp1, bp1, Wp2p, bp2p):
    nblk = N // BN

    def body(p_ref, r_ref, w_ref, b_ref,
             wg_ref, bg_ref, wp1_ref, bp1_ref, wp2_ref, bp2_ref,
             o_ref, s_acc, m_acc):
        i = pl.program_id(0)
        m = p_ref[0] + p_ref[1]
        new = _elu(jnp.dot(m, w_ref[...], preferred_element_type=jnp.float32)
                   + b_ref[...])
        h2 = new + r_ref[...]
        gate = jnp.dot(h2, wg_ref[...], preferred_element_type=jnp.float32) \
            + bg_ref[...]
        w = 1.0 / (1.0 + jnp.exp(-gate[:, 0:1]))
        blk_sum = jnp.sum(w * h2, axis=0, keepdims=True)
        blk_max = jnp.max(h2, axis=0, keepdims=True)

        @pl.when(i == 0)
        def _():
            s_acc[...] = blk_sum
            m_acc[...] = blk_max

        @pl.when(i > 0)
        def _():
            s_acc[...] = s_acc[...] + blk_sum
            m_acc[...] = jnp.maximum(m_acc[...], blk_max)

        @pl.when(i == nblk - 1)
        def _():
            g = jnp.concatenate([s_acc[...], m_acc[...]], axis=1)
            z = jnp.maximum(
                jnp.dot(g, wp1_ref[...], preferred_element_type=jnp.float32)
                + bp1_ref[...], 0.0)
            z = z * (1.0 / jnp.sqrt(1.0 + 1e-5))
            o_ref[...] = jnp.dot(z, wp2_ref[...],
                                 preferred_element_type=jnp.float32) \
                + bp2_ref[...]

    return pl.pallas_call(
        body,
        grid=(nblk,),
        in_specs=[
            pl.BlockSpec((NC, BN, D), lambda i: (0, i, 0)),
            pl.BlockSpec((BN, D), lambda i: (i, 0)),
            pl.BlockSpec((D, D), lambda i: (0, 0)),
            pl.BlockSpec((1, D), lambda i: (0, 0)),
            pl.BlockSpec((D, D), lambda i: (0, 0)),
            pl.BlockSpec((1, D), lambda i: (0, 0)),
            pl.BlockSpec((2 * D, D), lambda i: (0, 0)),
            pl.BlockSpec((1, D), lambda i: (0, 0)),
            pl.BlockSpec((D, D), lambda i: (0, 0)),
            pl.BlockSpec((1, D), lambda i: (0, 0)),
        ],
        out_specs=pl.BlockSpec((1, D), lambda i: (0, 0)),
        out_shape=jax.ShapeDtypeStruct((1, D), jnp.float32),
        scratch_shapes=[
            pltpu.VMEM((1, D), jnp.float32),
            pltpu.VMEM((1, D), jnp.float32),
        ],
    )(p, res, W, b, Wgp, bgp, Wp1, bp1, Wp2p, bp2p)


def kernel(x, edge_index, W1, b1, Wr1, br1, W2, b2, Wr2, br2,
           Wg, bg, Wp1, bp1, Wp2, bp2):
    src3 = edge_index[0].reshape(NW, NCHUNK, CH)
    dst3 = edge_index[1].reshape(NW, NCHUNK, CH)
    zeros = jnp.zeros((NP, D), jnp.float32)

    Wgp = jnp.pad(Wg, ((0, 0), (0, D - Wg.shape[1])))
    bgp = jnp.pad(bg, (0, D - bg.shape[0])).reshape(1, D)
    Wp2p = jnp.pad(Wp2, ((0, 0), (0, D - Wp2.shape[1])))
    bp2p = jnp.pad(bp2, (0, D - bp2.shape[0])).reshape(1, D)

    b1r = b1.reshape(1, D)
    br1r = br1.reshape(1, D)
    b2r = b2.reshape(1, D)
    br2r = br2.reshape(1, D)
    bp1r = bp1.reshape(1, D)

    res1 = _res_layer(x, Wr1, br1r)
    p1 = _seg_sum_partials(x, src3, dst3, zeros)
    h1, res2 = _combine_layer(p1, res1, W1, b1r, Wr2, br2r)
    p2 = _seg_sum_partials(h1, src3, dst3, zeros)
    out = _dense2_readout(p2, res2, W2, b2r,
                          Wgp, bgp, Wp1, bp1r, Wp2p, bp2p)
    return out[:, :12]

# --- scband reference (transcript-rebuilt; emitter-appended) ---
"""Pipeline reference for scband-gcnext-67070209294355 (READ-ONLY COPY).

The authoritative reference and input builder live on the scoring server;
editing this copy changes nothing except your own understanding.
"""

import jax, jax.numpy as jnp
import numpy as np

N = 10000
E = 320000
D = 128
H = 128
PH = 128
NT = 12

def setup_inputs(seed: int = 0) -> dict:
    key = jax.random.key(seed)
    ks = jax.random.split(key, 16)
    x = jax.random.normal(ks[0], (N, D), dtype=jnp.float32)
    edge_index = jax.random.randint(ks[1], (2, E), 0, N, dtype=jnp.int32)
    s = 1.0 / np.sqrt(D)
    sh = 1.0 / np.sqrt(H)
    W1 = jax.random.normal(ks[2], (D, H), dtype=jnp.float32) * s
    b1 = jnp.zeros((H,), dtype=jnp.float32)
    Wr1 = jax.random.normal(ks[3], (D, H), dtype=jnp.float32) * s
    br1 = jnp.zeros((H,), dtype=jnp.float32)
    W2 = jax.random.normal(ks[4], (H, H), dtype=jnp.float32) * sh
    b2 = jnp.zeros((H,), dtype=jnp.float32)
    Wr2 = jax.random.normal(ks[5], (H, H), dtype=jnp.float32) * sh
    br2 = jnp.zeros((H,), dtype=jnp.float32)
    Wg = jax.random.normal(ks[6], (H, 1), dtype=jnp.float32) * sh
    bg = jnp.zeros((1,), dtype=jnp.float32)
    Wp1 = jax.random.normal(ks[7], (2 * H, PH), dtype=jnp.float32) * (1.0 / np.sqrt(2 * H))
    bp1 = jnp.zeros((PH,), dtype=jnp.float32)
    Wp2 = jax.random.normal(ks[8], (PH, NT), dtype=jnp.float32) * (1.0 / np.sqrt(PH))
    bp2 = jnp.zeros((NT,), dtype=jnp.float32)
    return {"x": x, "edge_index": edge_index, "W1": W1, "b1": b1, "Wr1": Wr1, "br1": br1,
            "W2": W2, "b2": b2, "Wr2": Wr2, "br2": br2, "Wg": Wg, "bg": bg,
            "Wp1": Wp1, "bp1": bp1, "Wp2": Wp2, "bp2": bp2}

def _gcn_layer(h, src, dst, W, b, Wr, br):
    # dgllife GCNLayer with gnn_norm='none': sum-aggregate neighbors, linear, elu,
    # plus residual branch elu(linear(h))
    m = jax.ops.segment_sum(h[src], dst, num_segments=N)
    new = jax.nn.elu(m @ W + b)
    res = jax.nn.elu(h @ Wr + br)
    return new + res

def reference(x, edge_index, W1, b1, Wr1, br1, W2, b2, Wr2, br2, Wg, bg, Wp1, bp1, Wp2, bp2):
    src = edge_index[0]
    dst = edge_index[1]
    h = _gcn_layer(x, src, dst, W1, b1, Wr1, br1)
    h = _gcn_layer(h, src, dst, W2, b2, Wr2, br2)
    # WeightedSumAndMax readout over the single (batched) graph
    w = jax.nn.sigmoid(h @ Wg + bg)
    h_sum = jnp.sum(w * h, axis=0)
    h_max = jnp.max(h, axis=0)
    g = jnp.concatenate([h_sum, h_max])[None, :]
    # MLPPredictor: Linear -> ReLU -> BatchNorm(eval, default stats) -> Linear
    z = jax.nn.relu(g @ Wp1 + bp1)
    z = z * (1.0 / jnp.sqrt(1.0 + 1e-5))
    out = z @ Wp2 + bp2
    return out

if __name__ == "__main__":
    import jax
    _d = setup_inputs()
    print(jax.jit(kernel)(*tuple(_d.values())))

</pallas_src>

<mosaic_0001>
#map = affine_map<(d0, d1) -> (0, 0)>
#map1 = affine_map<(d0, d1) -> (0, 0, 0)>
module attributes {stable_mosaic.version = 14 : i64} {
  func.func @k(%arg0: i32, %arg1: i32, %arg2: memref<10000x128xf32, #tpu.memory_space<hbm>>, %arg3: memref<32x80x125xi32, #tpu.memory_space<hbm>>, %arg4: memref<32x80x125xi32, #tpu.memory_space<hbm>>, %arg5: memref<10240x128xf32, #tpu.memory_space<hbm>>, %arg6: memref<2x10240x128xf32, #tpu.memory_space<hbm>>, %arg7: memref<40x125xi32, #tpu.memory_space<vmem>>, %arg8: memref<40x125xi32, #tpu.memory_space<vmem>>, %arg9: memref<125x128xf32, #tpu.memory_space<vmem>>, %arg10: memref<125x128xf32, #tpu.memory_space<vmem>>, %arg11: memref<10240x128xf32, #tpu.memory_space<vmem_shared>>, %arg12: memref<!tpu.dma_semaphore, #tpu.memory_space<semaphore_mem>>, %arg13: memref<!tpu.dma_semaphore, #tpu.memory_space<semaphore_mem>>, %arg14: memref<!tpu.dma_semaphore, #tpu.memory_space<semaphore_mem>>, %arg15: memref<!tpu.dma_semaphore, #tpu.memory_space<semaphore_mem>>) attributes {dimension_semantics = [#tpu.dimension_semantics<core_parallel>, #tpu.dimension_semantics<subcore_parallel>], iteration_bounds = array<i64: 2, 16>, scalar_prefetch = 0 : i64, scratch_operands = 9 : i64, tpu.core_type = #tpu.core_type<sc_vector_subcore>, window_params = [{transform_indices = #map}, {transform_indices = #map1}, {transform_indices = #map1}, {transform_indices = #map}, {transform_indices = #map1}]} {
    %mul3A = arith.constant 16 : i32
    %mul3A_0 = arith.muli %arg0, %mul3A : i32
    %add3A = arith.addi %mul3A_0, %arg1 : i32
    %mul3A_1 = arith.constant 640 : i32
    %mul3A_2 = arith.muli %arg1, %mul3A_1 : i32
    %mul3A_3 = arith.constant 640 : i32
    %mul3A_4 = arith.muli %arg1, %mul3A_3 : i32
    "tpu.region"() ({
      %run_scoped3A = tpu.sem_alloc : memref<!tpu.dma_semaphore, #tpu.memory_space<semaphore_mem>>
      %dma_start3A_36 = arith.constant 0 : i32
      %dma_start3A_37 = tpu.memref_slice %arg11[%mul3A_4, %dma_start3A_36] : memref<10240x128xf32, #tpu.memory_space<vmem_shared>> -> memref<640x128xf32, #tpu.memory_space<vmem_shared>>
      %dma_start3A_38 = arith.constant 0 : i32
      %dma_start3A_39 = tpu.memref_slice %arg5[%mul3A_2, %dma_start3A_38] : memref<10240x128xf32, #tpu.memory_space<hbm>> -> memref<640x128xf32, #tpu.memory_space<hbm>>
      tpu.enqueue_dma source(%dma_start3A_39 : memref<640x128xf32, #tpu.memory_space<hbm>>) target(%dma_start3A_37 : memref<640x128xf32, #tpu.memory_space<vmem_shared>>) target_semaphore(%run_scoped3A : memref<!tpu.dma_semaphore, #tpu.memory_space<semaphore_mem>>)
      %dma_wait3A = arith.constant 0 : i32
      %dma_wait3A_40 = tpu.memref_slice %arg11[%mul3A_4, %dma_wait3A] : memref<10240x128xf32, #tpu.memory_space<vmem_shared>> -> memref<640x128xf32, #tpu.memory_space<vmem_shared>>
      %dma_wait3A_41 = arith.constant 0 : i32
      %dma_wait3A_42 = tpu.memref_slice %arg5[%mul3A_2, %dma_wait3A_41] : memref<10240x128xf32, #tpu.memory_space<hbm>> -> memref<640x128xf32, #tpu.memory_space<hbm>>
      tpu.wait_dma2 semaphore(%run_scoped3A : memref<!tpu.dma_semaphore, #tpu.memory_space<semaphore_mem>>) src(%dma_wait3A_42 : memref<640x128xf32, #tpu.memory_space<hbm>>) dst(%dma_wait3A_40 : memref<640x128xf32, #tpu.memory_space<vmem_shared>>)
      tpu.yield
    }) : () -> ()
    %barrier3A = arith.constant 0 : index
    tpu.barrier barrier_id(%barrier3A)
    "tpu.region"() ({
      %run_scoped3A = tpu.sem_alloc : memref<!tpu.dma_semaphore, #tpu.memory_space<semaphore_mem>>
      %dma_start3A_36 = arith.constant 0 : i32
      %dma_start3A_37 = arith.constant 0 : i32
      %dma_start3A_38 = tpu.memref_slice %arg3[%add3A, %dma_start3A_36, %dma_start3A_37] : memref<32x80x125xi32, #tpu.memory_space<hbm>> -> memref<1x40x125xi32, #tpu.memory_space<hbm>>
      %dma_start3A_39 = tpu.memref_squeeze %dma_start3A_38 : memref<1x40x125xi32, #tpu.memory_space<hbm>> -> memref<40x125xi32, #tpu.memory_space<hbm>>
      %dma_start3A_40 = arith.constant 0 : i32
      %dma_start3A_41 = arith.constant 0 : i32
      %dma_start3A_42 = tpu.memref_slice %arg3[%add3A, %dma_start3A_40, %dma_start3A_41] : memref<32x80x125xi32, #tpu.memory_space<hbm>> -> memref<1x40x125xi32, #tpu.memory_space<hbm>>
      %dma_start3A_43 = tpu.memref_squeeze %dma_start3A_42 : memref<1x40x125xi32, #tpu.memory_space<hbm>> -> memref<40x125xi32, #tpu.memory_space<hbm>>
      tpu.enqueue_dma source(%dma_start3A_43 : memref<40x125xi32, #tpu.memory_space<hbm>>) target(%arg7 : memref<40x125xi32, #tpu.memory_space<vmem>>) target_semaphore(%run_scoped3A : memref<!tpu.dma_semaphore, #tpu.memory_space<semaphore_mem>>)
      %dma_wait3A = arith.constant 0 : i32
      %dma_wait3A_44 = arith.constant 0 : i32
      %dma_wait3A_45 = tpu.memref_slice %arg3[%add3A, %dma_wait3A, %dma_wait3A_44] : memref<32x80x125xi32, #tpu.memory_space<hbm>> -> memref<1x40x125xi32, #tpu.memory_space<hbm>>
      %dma_wait3A_46 = tpu.memref_squeeze %dma_wait3A_45 : memref<1x40x125xi32, #tpu.memory_space<hbm>> -> memref<40x125xi32, #tpu.memory_space<hbm>>
      %dma_wait3A_47 = arith.constant 0 : i32
      %dma_wait3A_48 = arith.constant 0 : i32
      %dma_wait3A_49 = tpu.memref_slice %arg3[%add3A, %dma_wait3A_47, %dma_wait3A_48] : memref<32x80x125xi32, #tpu.memory_space<hbm>> -> memref<1x40x125xi32, #tpu.memory_space<hbm>>
      %dma_wait3A_50 = tpu.memref_squeeze %dma_wait3A_49 : memref<1x40x125xi32, #tpu.memory_space<hbm>> -> memref<40x125xi32, #tpu.memory_space<hbm>>
      tpu.wait_dma2 semaphore(%run_scoped3A : memref<!tpu.dma_semaphore, #tpu.memory_space<semaphore_mem>>) src(%dma_wait3A_50 : memref<40x125xi32, #tpu.memory_space<hbm>>) dst(%arg7 : memref<40x125xi32, #tpu.memory_space<vmem>>)
      tpu.yield
    }) : () -> ()
    "tpu.region"() ({
      %run_scoped3A = tpu.sem_alloc : memref<!tpu.dma_semaphore, #tpu.memory_space<semaphore_mem>>
      %dma_start3A_36 = arith.constant 0 : i32
      %dma_start3A_37 = arith.constant 0 : i32
      %dma_start3A_38 = tpu.memref_slice %arg4[%add3A, %dma_start3A_36, %dma_start3A_37] : memref<32x80x125xi32, #tpu.memory_space<hbm>> -> memref<1x40x125xi32, #tpu.memory_space<hbm>>
      %dma_start3A_39 = tpu.memref_squeeze %dma_start3A_38 : memref<1x40x125xi32, #tpu.memory_space<hbm>> -> memref<40x125xi32, #tpu.memory_space<hbm>>
      %dma_start3A_40 = arith.constant 0 : i32
      %dma_start3A_41 = arith.constant 0 : i32
      %dma_start3A_42 = tpu.memref_slice %arg4[%add3A, %dma_start3A_40, %dma_start3A_41] : memref<32x80x125xi32, #tpu.memory_space<hbm>> -> memref<1x40x125xi32, #tpu.memory_space<hbm>>
      %dma_start3A_43 = tpu.memref_squeeze %dma_start3A_42 : memref<1x40x125xi32, #tpu.memory_space<hbm>> -> memref<40x125xi32, #tpu.memory_space<hbm>>
      tpu.enqueue_dma source(%dma_start3A_43 : memref<40x125xi32, #tpu.memory_space<hbm>>) target(%arg8 : memref<40x125xi32, #tpu.memory_space<vmem>>) target_semaphore(%run_scoped3A : memref<!tpu.dma_semaphore, #tpu.memory_space<semaphore_mem>>)
      %dma_wait3A = arith.constant 0 : i32
      %dma_wait3A_44 = arith.constant 0 : i32
      %dma_wait3A_45 = tpu.memref_slice %arg4[%add3A, %dma_wait3A, %dma_wait3A_44] : memref<32x80x125xi32, #tpu.memory_space<hbm>> -> memref<1x40x125xi32, #tpu.memory_space<hbm>>
      %dma_wait3A_46 = tpu.memref_squeeze %dma_wait3A_45 : memref<1x40x125xi32, #tpu.memory_space<hbm>> -> memref<40x125xi32, #tpu.memory_space<hbm>>
      %dma_wait3A_47 = arith.constant 0 : i32
      %dma_wait3A_48 = arith.constant 0 : i32
      %dma_wait3A_49 = tpu.memref_slice %arg4[%add3A, %dma_wait3A_47, %dma_wait3A_48] : memref<32x80x125xi32, #tpu.memory_space<hbm>> -> memref<1x40x125xi32, #tpu.memory_space<hbm>>
      %dma_wait3A_50 = tpu.memref_squeeze %dma_wait3A_49 : memref<1x40x125xi32, #tpu.memory_space<hbm>> -> memref<40x125xi32, #tpu.memory_space<hbm>>
      tpu.wait_dma2 semaphore(%run_scoped3A : memref<!tpu.dma_semaphore, #tpu.memory_space<semaphore_mem>>) src(%dma_wait3A_50 : memref<40x125xi32, #tpu.memory_space<hbm>>) dst(%arg8 : memref<40x125xi32, #tpu.memory_space<vmem>>)
      tpu.yield
    }) : () -> ()
    %dma_start3A = arith.constant 0 : i32
    %dma_start3A_5 = arith.constant 0 : i32
    %dma_start3A_6 = tpu.memref_slice %arg7[%dma_start3A, %dma_start3A_5] : memref<40x125xi32, #tpu.memory_space<vmem>> -> memref<1x125xi32, #tpu.memory_space<vmem>>
    %dma_start3A_7 = tpu.memref_squeeze %dma_start3A_6 : memref<1x125xi32, #tpu.memory_space<vmem>> -> memref<125xi32, #tpu.memory_space<vmem>>
    %dma_start3A_8 = arith.constant 0 : i32
    %dma_start3A_9 = arith.constant 0 : i32
    %dma_start3A_10 = tpu.memref_slice %arg2[%dma_start3A_8, %dma_start3A_9] : memref<10000x128xf32, #tpu.memory_space<hbm>> -> memref<10000x128xf32, #tpu.memory_space<hbm>>
    tpu.enqueue_indirect_dma source(%dma_start3A_10 : memref<10000x128xf32, #tpu.memory_space<hbm>>) target(%arg9 : memref<125x128xf32, #tpu.memory_space<vmem>>) offsets(%dma_start3A_7 : memref<125xi32, #tpu.memory_space<vmem>>) semaphore(%arg12 : memref<!tpu.dma_semaphore, #tpu.memory_space<semaphore_mem>>)
    %scan3A = arith.constant 0 : i32
    %scan3A_11 = arith.constant 0 : i32
    %scan3A_12 = arith.constant 20 : i32
    %scan3A_13 = arith.addi %scan3A_11, %scan3A_12 : i32
    %scan3A_14 = arith.constant 1 : i32
    %scan3A_15 = scf.for %scan3A_36 = %scan3A_11 to %scan3A_13 step %scan3A_14 iter_args(%scan3A_37 = %scan3A) -> (i32)  : i32 {
      %mul3A_38 = arith.constant 2 : i32
      %mul3A_39 = arith.muli %mul3A_38, %scan3A_36 : i32
      %dma_wait3A = arith.constant 0 : i32
      %dma_wait3A_40 = tpu.memref_slice %arg7[%mul3A_39, %dma_wait3A] : memref<40x125xi32, #tpu.memory_space<vmem>> -> memref<1x125xi32, #tpu.memory_space<vmem>>
      %dma_wait3A_41 = tpu.memref_squeeze %dma_wait3A_40 : memref<1x125xi32, #tpu.memory_space<vmem>> -> memref<125xi32, #tpu.memory_space<vmem>>
      %dma_wait3A_42 = arith.constant 0 : i32
      %dma_wait3A_43 = arith.constant 0 : i32
      %dma_wait3A_44 = tpu.memref_slice %arg2[%dma_wait3A_42, %dma_wait3A_43] : memref<10000x128xf32, #tpu.memory_space<hbm>> -> memref<10000x128xf32, #tpu.memory_space<hbm>>
      tpu.wait_indirect_dma semaphore(%arg12 : memref<!tpu.dma_semaphore, #tpu.memory_space<semaphore_mem>>) src(%dma_wait3A_44 : memref<10000x128xf32, #tpu.memory_space<hbm>>) dst(%arg9 : memref<125x128xf32, #tpu.memory_space<vmem>>)
      %add3A_45 = arith.constant 1 : i32
      %add3A_46 = arith.addi %mul3A_39, %add3A_45 : i32
      %lt3A = arith.constant 40 : i32
      %lt3A_47 = arith.cmpi slt, %add3A_46, %lt3A : i32
      %convert_element_type3A = arith.extui %lt3A_47 : i1 to i32
      %cond3A = arith.constant 0 : i32
      %cond3A_48 = arith.cmpi ne, %convert_element_type3A, %cond3A : i32
      scf.if %cond3A_48 {
        %add3A_91 = arith.constant 1 : i32
        %add3A_92 = arith.addi %mul3A_39, %add3A_91 : i32
        %dma_start3A_93 = arith.constant 0 : i32
        %dma_start3A_94 = tpu.memref_slice %arg7[%add3A_92, %dma_start3A_93] : memref<40x125xi32, #tpu.memory_space<vmem>> -> memref<1x125xi32, #tpu.memory_space<vmem>>
        %dma_start3A_95 = tpu.memref_squeeze %dma_start3A_94 : memref<1x125xi32, #tpu.memory_space<vmem>> -> memref<125xi32, #tpu.memory_space<vmem>>
        %dma_start3A_96 = arith.constant 0 : i32
        %dma_start3A_97 = arith.constant 0 : i32
        %dma_start3A_98 = tpu.memref_slice %arg2[%dma_start3A_96, %dma_start3A_97] : memref<10000x128xf32, #tpu.memory_space<hbm>> -> memref<10000x128xf32, #tpu.memory_space<hbm>>
        tpu.enqueue_indirect_dma source(%dma_start3A_98 : memref<10000x128xf32, #tpu.memory_space<hbm>>) target(%arg10 : memref<125x128xf32, #tpu.memory_space<vmem>>) offsets(%dma_start3A_95 : memref<125xi32, #tpu.memory_space<vmem>>) semaphore(%arg13 : memref<!tpu.dma_semaphore, #tpu.memory_space<semaphore_mem>>)
      } else {
      }
      %dma_start3A_49 = arith.constant 0 : i32
      %dma_start3A_50 = tpu.memref_slice %arg8[%mul3A_39, %dma_start3A_49] : memref<40x125xi32, #tpu.memory_space<vmem>> -> memref<1x125xi32, #tpu.memory_space<vmem>>
      %dma_start3A_51 = tpu.memref_squeeze %dma_start3A_50 : memref<1x125xi32, #tpu.memory_space<vmem>> -> memref<125xi32, #tpu.memory_space<vmem>>
      %dma_start3A_52 = arith.constant 0 : i32
      %dma_start3A_53 = arith.constant 0 : i32
      %dma_start3A_54 = tpu.memref_slice %arg11[%dma_start3A_52, %dma_start3A_53] : memref<10240x128xf32, #tpu.memory_space<vmem_shared>> -> memref<10240x128xf32, #tpu.memory_space<vmem_shared>>
      tpu.enqueue_indirect_dma source(%arg9 : memref<125x128xf32, #tpu.memory_space<vmem>>) target(%dma_start3A_54 : memref<10240x128xf32, #tpu.memory_space<vmem_shared>>) offsets(%dma_start3A_51 : memref<125xi32, #tpu.memory_space<vmem>>) semaphore(%arg14 : memref<!tpu.dma_semaphore, #tpu.memory_space<semaphore_mem>>) {add = true}
      %dma_wait3A_55 = arith.constant 0 : i32
      %dma_wait3A_56 = tpu.memref_slice %arg8[%mul3A_39, %dma_wait3A_55] : memref<40x125xi32, #tpu.memory_space<vmem>> -> memref<1x125xi32, #tpu.memory_space<vmem>>
      %dma_wait3A_57 = tpu.memref_squeeze %dma_wait3A_56 : memref<1x125xi32, #tpu.memory_space<vmem>> -> memref<125xi32, #tpu.memory_space<vmem>>
      %dma_wait3A_58 = arith.constant 0 : i32
      %dma_wait3A_59 = arith.constant 0 : i32
      %dma_wait3A_60 = tpu.memref_slice %arg11[%dma_wait3A_58, %dma_wait3A_59] : memref<10240x128xf32, #tpu.memory_space<vmem_shared>> -> memref<10240x128xf32, #tpu.memory_space<vmem_shared>>
      tpu.wait_indirect_dma semaphore(%arg14 : memref<!tpu.dma_semaphore, #tpu.memory_space<semaphore_mem>>) src(%arg9 : memref<125x128xf32, #tpu.memory_space<vmem>>) dst(%dma_wait3A_60 : memref<10240x128xf32, #tpu.memory_space<vmem_shared>>)
      %mul3A_61 = arith.constant 2 : i32
      %mul3A_62 = arith.muli %mul3A_61, %scan3A_36 : i32
      %add3A_63 = arith.constant 1 : i32
      %add3A_64 = arith.addi %mul3A_62, %add3A_63 : i32
      %dma_wait3A_65 = arith.constant 0 : i32
      %dma_wait3A_66 = tpu.memref_slice %arg7[%add3A_64, %dma_wait3A_65] : memref<40x125xi32, #tpu.memory_space<vmem>> -> memref<1x125xi32, #tpu.memory_space<vmem>>
      %dma_wait3A_67 = tpu.memref_squeeze %dma_wait3A_66 : memref<1x125xi32, #tpu.memory_space<vmem>> -> memref<125xi32, #tpu.memory_space<vmem>>
      %dma_wait3A_68 = arith.constant 0 : i32
      %dma_wait3A_69 = arith.constant 0 : i32
      %dma_wait3A_70 = tpu.memref_slice %arg2[%dma_wait3A_68, %dma_wait3A_69] : memref<10000x128xf32, #tpu.memory_space<hbm>> -> memref<10000x128xf32, #tpu.memory_space<hbm>>
      tpu.wait_indirect_dma semaphore(%arg13 : memref<!tpu.dma_semaphore, #tpu.memory_space<semaphore_mem>>) src(%dma_wait3A_70 : memref<10000x128xf32, #tpu.memory_space<hbm>>) dst(%arg10 : memref<125x128xf32, #tpu.memory_space<vmem>>)
      %add3A_71 = arith.constant 1 : i32
      %add3A_72 = arith.addi %add3A_64, %add3A_71 : i32
      %lt3A_73 = arith.constant 40 : i32
      %lt3A_74 = arith.cmpi slt, %add3A_72, %lt3A_73 : i32
      %convert_element_type3A_75 = arith.extui %lt3A_74 : i1 to i32
      %cond3A_76 = arith.constant 0 : i32
      %cond3A_77 = arith.cmpi ne, %convert_element_type3A_75, %cond3A_76 : i32
      scf.if %cond3A_77 {
        %add3A_91 = arith.constant 1 : i32
        %add3A_92 = arith.addi %add3A_64, %add3A_91 : i32
        %dma_start3A_93 = arith.constant 0 : i32
        %dma_start3A_94 = tpu.memref_slice %arg7[%add3A_92, %dma_start3A_93] : memref<40x125xi32, #tpu.memory_space<vmem>> -> memref<1x125xi32, #tpu.memory_space<vmem>>
        %dma_start3A_95 = tpu.memref_squeeze %dma_start3A_94 : memref<1x125xi32, #tpu.memory_space<vmem>> -> memref<125xi32, #tpu.memory_space<vmem>>
        %dma_start3A_96 = arith.constant 0 : i32
        %dma_start3A_97 = arith.constant 0 : i32
        %dma_start3A_98 = tpu.memref_slice %arg2[%dma_start3A_96, %dma_start3A_97] : memref<10000x128xf32, #tpu.memory_space<hbm>> -> memref<10000x128xf32, #tpu.memory_space<hbm>>
        tpu.enqueue_indirect_dma source(%dma_start3A_98 : memref<10000x128xf32, #tpu.memory_space<hbm>>) target(%arg9 : memref<125x128xf32, #tpu.memory_space<vmem>>) offsets(%dma_start3A_95 : memref<125xi32, #tpu.memory_space<vmem>>) semaphore(%arg12 : memref<!tpu.dma_semaphore, #tpu.memory_space<semaphore_mem>>)
      } else {
      }
      %dma_start3A_78 = arith.constant 0 : i32
      %dma_start3A_79 = tpu.memref_slice %arg8[%add3A_64, %dma_start3A_78] : memref<40x125xi32, #tpu.memory_space<vmem>> -> memref<1x125xi32, #tpu.memory_space<vmem>>
      %dma_start3A_80 = tpu.memref_squeeze %dma_start3A_79 : memref<1x125xi32, #tpu.memory_space<vmem>> -> memref<125xi32, #tpu.memory_space<vmem>>
      %dma_start3A_81 = arith.constant 0 : i32
      %dma_start3A_82 = arith.constant 0 : i32
      %dma_start3A_83 = tpu.memref_slice %arg11[%dma_start3A_81, %dma_start3A_82] : memref<10240x128xf32, #tpu.memory_space<vmem_shared>> -> memref<10240x128xf32, #tpu.memory_space<vmem_shared>>
      tpu.enqueue_indirect_dma source(%arg10 : memref<125x128xf32, #tpu.memory_space<vmem>>) target(%dma_start3A_83 : memref<10240x128xf32, #tpu.memory_space<vmem_shared>>) offsets(%dma_start3A_80 : memref<125xi32, #tpu.memory_space<vmem>>) semaphore(%arg15 : memref<!tpu.dma_semaphore, #tpu.memory_space<semaphore_mem>>) {add = true}
      %dma_wait3A_84 = arith.constant 0 : i32
      %dma_wait3A_85 = tpu.memref_slice %arg8[%add3A_64, %dma_wait3A_84] : memref<40x125xi32, #tpu.memory_space<vmem>> -> memref<1x125xi32, #tpu.memory_space<vmem>>
      %dma_wait3A_86 = tpu.memref_squeeze %dma_wait3A_85 : memref<1x125xi32, #tpu.memory_space<vmem>> -> memref<125xi32, #tpu.memory_space<vmem>>
      %dma_wait3A_87 = arith.constant 0 : i32
      %dma_wait3A_88 = arith.constant 0 : i32
      %dma_wait3A_89 = tpu.memref_slice %arg11[%dma_wait3A_87, %dma_wait3A_88] : memref<10240x128xf32, #tpu.memory_space<vmem_shared>> -> memref<10240x128xf32, #tpu.memory_space<vmem_shared>>
      tpu.wait_indirect_dma semaphore(%arg15 : memref<!tpu.dma_semaphore, #tpu.memory_space<semaphore_mem>>) src(%arg10 : memref<125x128xf32, #tpu.memory_space<vmem>>) dst(%dma_wait3A_89 : memref<10240x128xf32, #tpu.memory_space<vmem_shared>>)
      %scan3A_90 = arith.constant 0 : i32
      scf.yield %scan3A_90 : i32
    }
    %scan3A_16 = arith.constant 20 : i32
    "tpu.region"() ({
      %run_scoped3A = tpu.sem_alloc : memref<!tpu.dma_semaphore, #tpu.memory_space<semaphore_mem>>
      %dma_start3A_36 = arith.constant 40 : i32
      %dma_start3A_37 = arith.constant 0 : i32
      %dma_start3A_38 = tpu.memref_slice %arg3[%add3A, %dma_start3A_36, %dma_start3A_37] : memref<32x80x125xi32, #tpu.memory_space<hbm>> -> memref<1x40x125xi32, #tpu.memory_space<hbm>>
      %dma_start3A_39 = tpu.memref_squeeze %dma_start3A_38 : memref<1x40x125xi32, #tpu.memory_space<hbm>> -> memref<40x125xi32, #tpu.memory_space<hbm>>
      %dma_start3A_40 = arith.constant 40 : i32
      %dma_start3A_41 = arith.constant 0 : i32
      %dma_start3A_42 = tpu.memref_slice %arg3[%add3A, %dma_start3A_40, %dma_start3A_41] : memref<32x80x125xi32, #tpu.memory_space<hbm>> -> memref<1x40x125xi32, #tpu.memory_space<hbm>>
      %dma_start3A_43 = tpu.memref_squeeze %dma_start3A_42 : memref<1x40x125xi32, #tpu.memory_space<hbm>> -> memref<40x125xi32, #tpu.memory_space<hbm>>
      tpu.enqueue_dma source(%dma_start3A_43 : memref<40x125xi32, #tpu.memory_space<hbm>>) target(%arg7 : memref<40x125xi32, #tpu.memory_space<vmem>>) target_semaphore(%run_scoped3A : memref<!tpu.dma_semaphore, #tpu.memory_space<semaphore_mem>>)
      %dma_wait3A = arith.constant 40 : i32
      %dma_wait3A_44 = arith.constant 0 : i32
      %dma_wait3A_45 = tpu.memref_slice %arg3[%add3A, %dma_wait3A, %dma_wait3A_44] : memref<32x80x125xi32, #tpu.memory_space<hbm>> -> memref<1x40x125xi32, #tpu.memory_space<hbm>>
      %dma_wait3A_46 = tpu.memref_squeeze %dma_wait3A_45 : memref<1x40x125xi32, #tpu.memory_space<hbm>> -> memref<40x125xi32, #tpu.memory_space<hbm>>
      %dma_wait3A_47 = arith.constant 40 : i32
      %dma_wait3A_48 = arith.constant 0 : i32
      %dma_wait3A_49 = tpu.memref_slice %arg3[%add3A, %dma_wait3A_47, %dma_wait3A_48] : memref<32x80x125xi32, #tpu.memory_space<hbm>> -> memref<1x40x125xi32, #tpu.memory_space<hbm>>
      %dma_wait3A_50 = tpu.memref_squeeze %dma_wait3A_49 : memref<1x40x125xi32, #tpu.memory_space<hbm>> -> memref<40x125xi32, #tpu.memory_space<hbm>>
      tpu.wait_dma2 semaphore(%run_scoped3A : memref<!tpu.dma_semaphore, #tpu.memory_space<semaphore_mem>>) src(%dma_wait3A_50 : memref<40x125xi32, #tpu.memory_space<hbm>>) dst(%arg7 : memref<40x125xi32, #tpu.memory_space<vmem>>)
      tpu.yield
    }) : () -> ()
    "tpu.region"() ({
      %run_scoped3A = tpu.sem_alloc : memref<!tpu.dma_semaphore, #tpu.memory_space<semaphore_mem>>
      %dma_start3A_36 = arith.constant 40 : i32
      %dma_start3A_37 = arith.constant 0 : i32
      %dma_start3A_38 = tpu.memref_slice %arg4[%add3A, %dma_start3A_36, %dma_start3A_37] : memref<32x80x125xi32, #tpu.memory_space<hbm>> -> memref<1x40x125xi32, #tpu.memory_space<hbm>>
      %dma_start3A_39 = tpu.memref_squeeze %dma_start3A_38 : memref<1x40x125xi32, #tpu.memory_space<hbm>> -> memref<40x125xi32, #tpu.memory_space<hbm>>
      %dma_start3A_40 = arith.constant 40 : i32
      %dma_start3A_41 = arith.constant 0 : i32
      %dma_start3A_42 = tpu.memref_slice %arg4[%add3A, %dma_start3A_40, %dma_start3A_41] : memref<32x80x125xi32, #tpu.memory_space<hbm>> -> memref<1x40x125xi32, #tpu.memory_space<hbm>>
      %dma_start3A_43 = tpu.memref_squeeze %dma_start3A_42 : memref<1x40x125xi32, #tpu.memory_space<hbm>> -> memref<40x125xi32, #tpu.memory_space<hbm>>
      tpu.enqueue_dma source(%dma_start3A_43 : memref<40x125xi32, #tpu.memory_space<hbm>>) target(%arg8 : memref<40x125xi32, #tpu.memory_space<vmem>>) target_semaphore(%run_scoped3A : memref<!tpu.dma_semaphore, #tpu.memory_space<semaphore_mem>>)
      %dma_wait3A = arith.constant 40 : i32
      %dma_wait3A_44 = arith.constant 0 : i32
      %dma_wait3A_45 = tpu.memref_slice %arg4[%add3A, %dma_wait3A, %dma_wait3A_44] : memref<32x80x125xi32, #tpu.memory_space<hbm>> -> memref<1x40x125xi32, #tpu.memory_space<hbm>>
      %dma_wait3A_46 = tpu.memref_squeeze %dma_wait3A_45 : memref<1x40x125xi32, #tpu.memory_space<hbm>> -> memref<40x125xi32, #tpu.memory_space<hbm>>
      %dma_wait3A_47 = arith.constant 40 : i32
      %dma_wait3A_48 = arith.constant 0 : i32
      %dma_wait3A_49 = tpu.memref_slice %arg4[%add3A, %dma_wait3A_47, %dma_wait3A_48] : memref<32x80x125xi32, #tpu.memory_space<hbm>> -> memref<1x40x125xi32, #tpu.memory_space<hbm>>
      %dma_wait3A_50 = tpu.memref_squeeze %dma_wait3A_49 : memref<1x40x125xi32, #tpu.memory_space<hbm>> -> memref<40x125xi32, #tpu.memory_space<hbm>>
      tpu.wait_dma2 semaphore(%run_scoped3A : memref<!tpu.dma_semaphore, #tpu.memory_space<semaphore_mem>>) src(%dma_wait3A_50 : memref<40x125xi32, #tpu.memory_space<hbm>>) dst(%arg8 : memref<40x125xi32, #tpu.memory_space<vmem>>)
      tpu.yield
    }) : () -> ()
    %dma_start3A_17 = arith.constant 0 : i32
    %dma_start3A_18 = arith.constant 0 : i32
    %dma_start3A_19 = tpu.memref_slice %arg7[%dma_start3A_17, %dma_start3A_18] : memref<40x125xi32, #tpu.memory_space<vmem>> -> memref<1x125xi32, #tpu.memory_space<vmem>>
    %dma_start3A_20 = tpu.memref_squeeze %dma_start3A_19 : memref<1x125xi32, #tpu.memory_space<vmem>> -> memref<125xi32, #tpu.memory_space<vmem>>
    %dma_start3A_21 = arith.constant 0 : i32
    %dma_start3A_22 = arith.constant 0 : i32
    %dma_start3A_23 = tpu.memref_slice %arg2[%dma_start3A_21, %dma_start3A_22] : memref<10000x128xf32, #tpu.memory_space<hbm>> -> memref<10000x128xf32, #tpu.memory_space<hbm>>
    tpu.enqueue_indirect_dma source(%dma_start3A_23 : memref<10000x128xf32, #tpu.memory_space<hbm>>) target(%arg9 : memref<125x128xf32, #tpu.memory_space<vmem>>) offsets(%dma_start3A_20 : memref<125xi32, #tpu.memory_space<vmem>>) semaphore(%arg12 : memref<!tpu.dma_semaphore, #tpu.memory_space<semaphore_mem>>)
    %scan3A_24 = arith.constant 0 : i32
    %scan3A_25 = arith.constant 0 : i32
    %scan3A_26 = arith.constant 20 : i32
    %scan3A_27 = arith.addi %scan3A_25, %scan3A_26 : i32
    %scan3A_28 = arith.constant 1 : i32
    %scan3A_29 = scf.for %scan3A_36 = %scan3A_25 to %scan3A_27 step %scan3A_28 iter_args(%scan3A_37 = %scan3A_24) -> (i32)  : i32 {
      %mul3A_38 = arith.constant 2 : i32
      %mul3A_39 = arith.muli %mul3A_38, %scan3A_36 : i32
      %dma_wait3A = arith.constant 0 : i32
      %dma_wait3A_40 = tpu.memref_slice %arg7[%mul3A_39, %dma_wait3A] : memref<40x125xi32, #tpu.memory_space<vmem>> -> memref<1x125xi32, #tpu.memory_space<vmem>>
      %dma_wait3A_41 = tpu.memref_squeeze %dma_wait3A_40 : memref<1x125xi32, #tpu.memory_space<vmem>> -> memref<125xi32, #tpu.memory_space<vmem>>
      %dma_wait3A_42 = arith.constant 0 : i32
      %dma_wait3A_43 = arith.constant 0 : i32
      %dma_wait3A_44 = tpu.memref_slice %arg2[%dma_wait3A_42, %dma_wait3A_43] : memref<10000x128xf32, #tpu.memory_space<hbm>> -> memref<10000x128xf32, #tpu.memory_space<hbm>>
      tpu.wait_indirect_dma semaphore(%arg12 : memref<!tpu.dma_semaphore, #tpu.memory_space<semaphore_mem>>) src(%dma_wait3A_44 : memref<10000x128xf32, #tpu.memory_space<hbm>>) dst(%arg9 : memref<125x128xf32, #tpu.memory_space<vmem>>)
      %add3A_45 = arith.constant 1 : i32
      %add3A_46 = arith.addi %mul3A_39, %add3A_45 : i32
      %lt3A = arith.constant 40 : i32
      %lt3A_47 = arith.cmpi slt, %add3A_46, %lt3A : i32
      %convert_element_type3A = arith.extui %lt3A_47 : i1 to i32
      %cond3A = arith.constant 0 : i32
      %cond3A_48 = arith.cmpi ne, %convert_element_type3A, %cond3A : i32
      scf.if %cond3A_48 {
        %add3A_91 = arith.constant 1 : i32
        %add3A_92 = arith.addi %mul3A_39, %add3A_91 : i32
        %dma_start3A_93 = arith.constant 0 : i32
        %dma_start3A_94 = tpu.memref_slice %arg7[%add3A_92, %dma_start3A_93] : memref<40x125xi32, #tpu.memory_space<vmem>> -> memref<1x125xi32, #tpu.memory_space<vmem>>
        %dma_start3A_95 = tpu.memref_squeeze %dma_start3A_94 : memref<1x125xi32, #tpu.memory_space<vmem>> -> memref<125xi32, #tpu.memory_space<vmem>>
        %dma_start3A_96 = arith.constant 0 : i32
        %dma_start3A_97 = arith.constant 0 : i32
        %dma_start3A_98 = tpu.memref_slice %arg2[%dma_start3A_96, %dma_start3A_97] : memref<10000x128xf32, #tpu.memory_space<hbm>> -> memref<10000x128xf32, #tpu.memory_space<hbm>>
        tpu.enqueue_indirect_dma source(%dma_start3A_98 : memref<10000x128xf32, #tpu.memory_space<hbm>>) target(%arg10 : memref<125x128xf32, #tpu.memory_space<vmem>>) offsets(%dma_start3A_95 : memref<125xi32, #tpu.memory_space<vmem>>) semaphore(%arg13 : memref<!tpu.dma_semaphore, #tpu.memory_space<semaphore_mem>>)
      } else {
      }
      %dma_start3A_49 = arith.constant 0 : i32
      %dma_start3A_50 = tpu.memref_slice %arg8[%mul3A_39, %dma_start3A_49] : memref<40x125xi32, #tpu.memory_space<vmem>> -> memref<1x125xi32, #tpu.memory_space<vmem>>
      %dma_start3A_51 = tpu.memref_squeeze %dma_start3A_50 : memref<1x125xi32, #tpu.memory_space<vmem>> -> memref<125xi32, #tpu.memory_space<vmem>>
      %dma_start3A_52 = arith.constant 0 : i32
      %dma_start3A_53 = arith.constant 0 : i32
      %dma_start3A_54 = tpu.memref_slice %arg11[%dma_start3A_52, %dma_start3A_53] : memref<10240x128xf32, #tpu.memory_space<vmem_shared>> -> memref<10240x128xf32, #tpu.memory_space<vmem_shared>>
      tpu.enqueue_indirect_dma source(%arg9 : memref<125x128xf32, #tpu.memory_space<vmem>>) target(%dma_start3A_54 : memref<10240x128xf32, #tpu.memory_space<vmem_shared>>) offsets(%dma_start3A_51 : memref<125xi32, #tpu.memory_space<vmem>>) semaphore(%arg14 : memref<!tpu.dma_semaphore, #tpu.memory_space<semaphore_mem>>) {add = true}
      %dma_wait3A_55 = arith.constant 0 : i32
      %dma_wait3A_56 = tpu.memref_slice %arg8[%mul3A_39, %dma_wait3A_55] : memref<40x125xi32, #tpu.memory_space<vmem>> -> memref<1x125xi32, #tpu.memory_space<vmem>>
      %dma_wait3A_57 = tpu.memref_squeeze %dma_wait3A_56 : memref<1x125xi32, #tpu.memory_space<vmem>> -> memref<125xi32, #tpu.memory_space<vmem>>
      %dma_wait3A_58 = arith.constant 0 : i32
      %dma_wait3A_59 = arith.constant 0 : i32
      %dma_wait3A_60 = tpu.memref_slice %arg11[%dma_wait3A_58, %dma_wait3A_59] : memref<10240x128xf32, #tpu.memory_space<vmem_shared>> -> memref<10240x128xf32, #tpu.memory_space<vmem_shared>>
      tpu.wait_indirect_dma semaphore(%arg14 : memref<!tpu.dma_semaphore, #tpu.memory_space<semaphore_mem>>) src(%arg9 : memref<125x128xf32, #tpu.memory_space<vmem>>) dst(%dma_wait3A_60 : memref<10240x128xf32, #tpu.memory_space<vmem_shared>>)
      %mul3A_61 = arith.constant 2 : i32
      %mul3A_62 = arith.muli %mul3A_61, %scan3A_36 : i32
      %add3A_63 = arith.constant 1 : i32
      %add3A_64 = arith.addi %mul3A_62, %add3A_63 : i32
      %dma_wait3A_65 = arith.constant 0 : i32
      %dma_wait3A_66 = tpu.memref_slice %arg7[%add3A_64, %dma_wait3A_65] : memref<40x125xi32, #tpu.memory_space<vmem>> -> memref<1x125xi32, #tpu.memory_space<vmem>>
      %dma_wait3A_67 = tpu.memref_squeeze %dma_wait3A_66 : memref<1x125xi32, #tpu.memory_space<vmem>> -> memref<125xi32, #tpu.memory_space<vmem>>
      %dma_wait3A_68 = arith.constant 0 : i32
      %dma_wait3A_69 = arith.constant 0 : i32
      %dma_wait3A_70 = tpu.memref_slice %arg2[%dma_wait3A_68, %dma_wait3A_69] : memref<10000x128xf32, #tpu.memory_space<hbm>> -> memref<10000x128xf32, #tpu.memory_space<hbm>>
      tpu.wait_indirect_dma semaphore(%arg13 : memref<!tpu.dma_semaphore, #tpu.memory_space<semaphore_mem>>) src(%dma_wait3A_70 : memref<10000x128xf32, #tpu.memory_space<hbm>>) dst(%arg10 : memref<125x128xf32, #tpu.memory_space<vmem>>)
      %add3A_71 = arith.constant 1 : i32
      %add3A_72 = arith.addi %add3A_64, %add3A_71 : i32
      %lt3A_73 = arith.constant 40 : i32
      %lt3A_74 = arith.cmpi slt, %add3A_72, %lt3A_73 : i32
      %convert_element_type3A_75 = arith.extui %lt3A_74 : i1 to i32
      %cond3A_76 = arith.constant 0 : i32
      %cond3A_77 = arith.cmpi ne, %convert_element_type3A_75, %cond3A_76 : i32
      scf.if %cond3A_77 {
        %add3A_91 = arith.constant 1 : i32
        %add3A_92 = arith.addi %add3A_64, %add3A_91 : i32
        %dma_start3A_93 = arith.constant 0 : i32
        %dma_start3A_94 = tpu.memref_slice %arg7[%add3A_92, %dma_start3A_93] : memref<40x125xi32, #tpu.memory_space<vmem>> -> memref<1x125xi32, #tpu.memory_space<vmem>>
        %dma_start3A_95 = tpu.memref_squeeze %dma_start3A_94 : memref<1x125xi32, #tpu.memory_space<vmem>> -> memref<125xi32, #tpu.memory_space<vmem>>
        %dma_start3A_96 = arith.constant 0 : i32
        %dma_start3A_97 = arith.constant 0 : i32
        %dma_start3A_98 = tpu.memref_slice %arg2[%dma_start3A_96, %dma_start3A_97] : memref<10000x128xf32, #tpu.memory_space<hbm>> -> memref<10000x128xf32, #tpu.memory_space<hbm>>
        tpu.enqueue_indirect_dma source(%dma_start3A_98 : memref<10000x128xf32, #tpu.memory_space<hbm>>) target(%arg9 : memref<125x128xf32, #tpu.memory_space<vmem>>) offsets(%dma_start3A_95 : memref<125xi32, #tpu.memory_space<vmem>>) semaphore(%arg12 : memref<!tpu.dma_semaphore, #tpu.memory_space<semaphore_mem>>)
      } else {
      }
      %dma_start3A_78 = arith.constant 0 : i32
      %dma_start3A_79 = tpu.memref_slice %arg8[%add3A_64, %dma_start3A_78] : memref<40x125xi32, #tpu.memory_space<vmem>> -> memref<1x125xi32, #tpu.memory_space<vmem>>
      %dma_start3A_80 = tpu.memref_squeeze %dma_start3A_79 : memref<1x125xi32, #tpu.memory_space<vmem>> -> memref<125xi32, #tpu.memory_space<vmem>>
      %dma_start3A_81 = arith.constant 0 : i32
      %dma_start3A_82 = arith.constant 0 : i32
      %dma_start3A_83 = tpu.memref_slice %arg11[%dma_start3A_81, %dma_start3A_82] : memref<10240x128xf32, #tpu.memory_space<vmem_shared>> -> memref<10240x128xf32, #tpu.memory_space<vmem_shared>>
      tpu.enqueue_indirect_dma source(%arg10 : memref<125x128xf32, #tpu.memory_space<vmem>>) target(%dma_start3A_83 : memref<10240x128xf32, #tpu.memory_space<vmem_shared>>) offsets(%dma_start3A_80 : memref<125xi32, #tpu.memory_space<vmem>>) semaphore(%arg15 : memref<!tpu.dma_semaphore, #tpu.memory_space<semaphore_mem>>) {add = true}
      %dma_wait3A_84 = arith.constant 0 : i32
      %dma_wait3A_85 = tpu.memref_slice %arg8[%add3A_64, %dma_wait3A_84] : memref<40x125xi32, #tpu.memory_space<vmem>> -> memref<1x125xi32, #tpu.memory_space<vmem>>
      %dma_wait3A_86 = tpu.memref_squeeze %dma_wait3A_85 : memref<1x125xi32, #tpu.memory_space<vmem>> -> memref<125xi32, #tpu.memory_space<vmem>>
      %dma_wait3A_87 = arith.constant 0 : i32
      %dma_wait3A_88 = arith.constant 0 : i32
      %dma_wait3A_89 = tpu.memref_slice %arg11[%dma_wait3A_87, %dma_wait3A_88] : memref<10240x128xf32, #tpu.memory_space<vmem_shared>> -> memref<10240x128xf32, #tpu.memory_space<vmem_shared>>
      tpu.wait_indirect_dma semaphore(%arg15 : memref<!tpu.dma_semaphore, #tpu.memory_space<semaphore_mem>>) src(%arg10 : memref<125x128xf32, #tpu.memory_space<vmem>>) dst(%dma_wait3A_89 : memref<10240x128xf32, #tpu.memory_space<vmem_shared>>)
      %scan3A_90 = arith.constant 0 : i32
      scf.yield %scan3A_90 : i32
    }
    %scan3A_30 = arith.constant 20 : i32
    %barrier3A_31 = arith.constant 0 : index
    tpu.barrier barrier_id(%barrier3A_31)
    %mul3A_32 = arith.constant 640 : i32
    %mul3A_33 = arith.muli %arg1, %mul3A_32 : i32
    %mul3A_34 = arith.constant 640 : i32
    %mul3A_35 = arith.muli %arg1, %mul3A_34 : i32
    "tpu.region"() ({
      %run_scoped3A = tpu.sem_alloc : memref<!tpu.dma_semaphore, #tpu.memory_space<semaphore_mem>>
      %dma_start3A_36 = arith.constant 0 : i32
      %dma_start3A_37 = tpu.memref_slice %arg6[%arg0, %mul3A_35, %dma_start3A_36] : memref<2x10240x128xf32, #tpu.memory_space<hbm>> -> memref<1x640x128xf32, #tpu.memory_space<hbm>>
      %dma_start3A_38 = tpu.memref_squeeze %dma_start3A_37 : memref<1x640x128xf32, #tpu.memory_space<hbm>> -> memref<640x128xf32, #tpu.memory_space<hbm>>
      %dma_start3A_39 = arith.constant 0 : i32
      %dma_start3A_40 = tpu.memref_slice %arg11[%mul3A_33, %dma_start3A_39] : memref<10240x128xf32, #tpu.memory_space<vmem_shared>> -> memref<640x128xf32, #tpu.memory_space<vmem_shared>>
      tpu.enqueue_dma source(%dma_start3A_40 : memref<640x128xf32, #tpu.memory_space<vmem_shared>>) target(%dma_start3A_38 : memref<640x128xf32, #tpu.memory_space<hbm>>) target_semaphore(%run_scoped3A : memref<!tpu.dma_semaphore, #tpu.memory_space<semaphore_mem>>)
      %dma_wait3A = arith.constant 0 : i32
      %dma_wait3A_41 = tpu.memref_slice %arg6[%arg0, %mul3A_35, %dma_wait3A] : memref<2x10240x128xf32, #tpu.memory_space<hbm>> -> memref<1x640x128xf32, #tpu.memory_space<hbm>>
      %dma_wait3A_42 = tpu.memref_squeeze %dma_wait3A_41 : memref<1x640x128xf32, #tpu.memory_space<hbm>> -> memref<640x128xf32, #tpu.memory_space<hbm>>
      %dma_wait3A_43 = arith.constant 0 : i32
      %dma_wait3A_44 = tpu.memref_slice %arg11[%mul3A_33, %dma_wait3A_43] : memref<10240x128xf32, #tpu.memory_space<vmem_shared>> -> memref<640x128xf32, #tpu.memory_space<vmem_shared>>
      tpu.wait_dma2 semaphore(%run_scoped3A : memref<!tpu.dma_semaphore, #tpu.memory_space<semaphore_mem>>) src(%dma_wait3A_44 : memref<640x128xf32, #tpu.memory_space<vmem_shared>>) dst(%dma_wait3A_42 : memref<640x128xf32, #tpu.memory_space<hbm>>)
      tpu.yield
    }) : () -> ()
    return
  }
}

#map = affine_map<(d0, d1) -> (0, 0)>
#map1 = affine_map<(d0, d1) -> (0, 0, 0)>
module attributes {stable_mosaic.version = 14 : i64} {
  func.func @k(%arg0: i32, %arg1: i32, %arg2: memref<10000x128xf32, #tpu.memory_space<hbm>>, %arg3: memref<32x80x125xi32, #tpu.memory_space<hbm>>, %arg4: memref<32x80x125xi32, #tpu.memory_space<hbm>>, %arg5: memref<10240x128xf32, #tpu.memory_space<hbm>>, %arg6: memref<2x10240x128xf32, #tpu.memory_space<hbm>>, %arg7: memref<40x125xi32, #tpu.memory_space<vmem>>, %arg8: memref<40x125xi32, #tpu.memory_space<vmem>>, %arg9: memref<125x128xf32, #tpu.memory_space<vmem>>, %arg10: memref<125x128xf32, #tpu.memory_space<vmem>>, %arg11: memref<10240x128xf32, #tpu.memory_space<vmem_shared>>, %arg12: memref<!tpu.dma_semaphore, #tpu.memory_space<semaphore_mem>>, %arg13: memref<!tpu.dma_semaphore, #tpu.memory_space<semaphore_mem>>, %arg14: memref<!tpu.dma_semaphore, #tpu.memory_space<semaphore_mem>>, %arg15: memref<!tpu.dma_semaphore, #tpu.memory_space<semaphore_mem>>) attributes {dimension_semantics = [#tpu.dimension_semantics<core_parallel>, #tpu.dimension_semantics<subcore_parallel>], iteration_bounds = array<i64: 2, 16>, scalar_prefetch = 0 : i64, scratch_operands = 9 : i64, tpu.core_type = #tpu.core_type<sc_vector_subcore>, window_params = [{transform_indices = #map}, {transform_indices = #map1}, {transform_indices = #map1}, {transform_indices = #map}, {transform_indices = #map1}]} {
    %mul3A = arith.constant 16 : i32
    %mul3A_0 = arith.muli %arg0, %mul3A : i32
    %add3A = arith.addi %mul3A_0, %arg1 : i32
    %mul3A_1 = arith.constant 640 : i32
    %mul3A_2 = arith.muli %arg1, %mul3A_1 : i32
    %mul3A_3 = arith.constant 640 : i32
    %mul3A_4 = arith.muli %arg1, %mul3A_3 : i32
    "tpu.region"() ({
      %run_scoped3A = tpu.sem_alloc : memref<!tpu.dma_semaphore, #tpu.memory_space<semaphore_mem>>
      %dma_start3A_36 = arith.constant 0 : i32
      %dma_start3A_37 = tpu.memref_slice %arg11[%mul3A_4, %dma_start3A_36] : memref<10240x128xf32, #tpu.memory_space<vmem_shared>> -> memref<640x128xf32, #tpu.memory_space<vmem_shared>>
      %dma_start3A_38 = arith.constant 0 : i32
      %dma_start3A_39 = tpu.memref_slice %arg5[%mul3A_2, %dma_start3A_38] : memref<10240x128xf32, #tpu.memory_space<hbm>> -> memref<640x128xf32, #tpu.memory_space<hbm>>
      tpu.enqueue_dma source(%dma_start3A_39 : memref<640x128xf32, #tpu.memory_space<hbm>>) target(%dma_start3A_37 : memref<640x128xf32, #tpu.memory_space<vmem_shared>>) target_semaphore(%run_scoped3A : memref<!tpu.dma_semaphore, #tpu.memory_space<semaphore_mem>>)
      %dma_wait3A = arith.constant 0 : i32
      %dma_wait3A_40 = tpu.memref_slice %arg11[%mul3A_4, %dma_wait3A] : memref<10240x128xf32, #tpu.memory_space<vmem_shared>> -> memref<640x128xf32, #tpu.memory_space<vmem_shared>>
      %dma_wait3A_41 = arith.constant 0 : i32
      %dma_wait3A_42 = tpu.memref_slice %arg5[%mul3A_2, %dma_wait3A_41] : memref<10240x128xf32, #tpu.memory_space<hbm>> -> memref<640x128xf32, #tpu.memory_space<hbm>>
      tpu.wait_dma2 semaphore(%run_scoped3A : memref<!tpu.dma_semaphore, #tpu.memory_space<semaphore_mem>>) src(%dma_wait3A_42 : memref<640x128xf32, #tpu.memory_space<hbm>>) dst(%dma_wait3A_40 : memref<640x128xf32, #tpu.memory_space<vmem_shared>>)
      tpu.yield
    }) : () -> ()
    %barrier3A = arith.constant 0 : index
    tpu.barrier barrier_id(%barrier3A)
    "tpu.region"() ({
      %run_scoped3A = tpu.sem_alloc : memref<!tpu.dma_semaphore, #tpu.memory_space<semaphore_mem>>
      %dma_start3A_36 = arith.constant 0 : i32
      %dma_start3A_37 = arith.constant 0 : i32
      %dma_start3A_38 = tpu.memref_slice %arg3[%add3A, %dma_start3A_36, %dma_start3A_37] : memref<32x80x125xi32, #tpu.memory_space<hbm>> -> memref<1x40x125xi32, #tpu.memory_space<hbm>>
      %dma_start3A_39 = tpu.memref_squeeze %dma_start3A_38 : memref<1x40x125xi32, #tpu.memory_space<hbm>> -> memref<40x125xi32, #tpu.memory_space<hbm>>
      %dma_start3A_40 = arith.constant 0 : i32
      %dma_start3A_41 = arith.constant 0 : i32
      %dma_start3A_42 = tpu.memref_slice %arg3[%add3A, %dma_start3A_40, %dma_start3A_41] : memref<32x80x125xi32, #tpu.memory_space<hbm>> -> memref<1x40x125xi32, #tpu.memory_space<hbm>>
      %dma_start3A_43 = tpu.memref_squeeze %dma_start3A_42 : memref<1x40x125xi32, #tpu.memory_space<hbm>> -> memref<40x125xi32, #tpu.memory_space<hbm>>
      tpu.enqueue_dma source(%dma_start3A_43 : memref<40x125xi32, #tpu.memory_space<hbm>>) target(%arg7 : memref<40x125xi32, #tpu.memory_space<vmem>>) target_semaphore(%run_scoped3A : memref<!tpu.dma_semaphore, #tpu.memory_space<semaphore_mem>>)
      %dma_wait3A = arith.constant 0 : i32
      %dma_wait3A_44 = arith.constant 0 : i32
      %dma_wait3A_45 = tpu.memref_slice %arg3[%add3A, %dma_wait3A, %dma_wait3A_44] : memref<32x80x125xi32, #tpu.memory_space<hbm>> -> memref<1x40x125xi32, #tpu.memory_space<hbm>>
      %dma_wait3A_46 = tpu.memref_squeeze %dma_wait3A_45 : memref<1x40x125xi32, #tpu.memory_space<hbm>> -> memref<40x125xi32, #tpu.memory_space<hbm>>
      %dma_wait3A_47 = arith.constant 0 : i32
      %dma_wait3A_48 = arith.constant 0 : i32
      %dma_wait3A_49 = tpu.memref_slice %arg3[%add3A, %dma_wait3A_47, %dma_wait3A_48] : memref<32x80x125xi32, #tpu.memory_space<hbm>> -> memref<1x40x125xi32, #tpu.memory_space<hbm>>
      %dma_wait3A_50 = tpu.memref_squeeze %dma_wait3A_49 : memref<1x40x125xi32, #tpu.memory_space<hbm>> -> memref<40x125xi32, #tpu.memory_space<hbm>>
      tpu.wait_dma2 semaphore(%run_scoped3A : memref<!tpu.dma_semaphore, #tpu.memory_space<semaphore_mem>>) src(%dma_wait3A_50 : memref<40x125xi32, #tpu.memory_space<hbm>>) dst(%arg7 : memref<40x125xi32, #tpu.memory_space<vmem>>)
      tpu.yield
    }) : () -> ()
    "tpu.region"() ({
      %run_scoped3A = tpu.sem_alloc : memref<!tpu.dma_semaphore, #tpu.memory_space<semaphore_mem>>
      %dma_start3A_36 = arith.constant 0 : i32
      %dma_start3A_37 = arith.constant 0 : i32
      %dma_start3A_38 = tpu.memref_slice %arg4[%add3A, %dma_start3A_36, %dma_start3A_37] : memref<32x80x125xi32, #tpu.memory_space<hbm>> -> memref<1x40x125xi32, #tpu.memory_space<hbm>>
      %dma_start3A_39 = tpu.memref_squeeze %dma_start3A_38 : memref<1x40x125xi32, #tpu.memory_space<hbm>> -> memref<40x125xi32, #tpu.memory_space<hbm>>
      %dma_start3A_40 = arith.constant 0 : i32
      %dma_start3A_41 = arith.constant 0 : i32
      %dma_start3A_42 = tpu.memref_slice %arg4[%add3A, %dma_start3A_40, %dma_start3A_41] : memref<32x80x125xi32, #tpu.memory_space<hbm>> -> memref<1x40x125xi32, #tpu.memory_space<hbm>>
      %dma_start3A_43 = tpu.memref_squeeze %dma_start3A_42 : memref<1x40x125xi32, #tpu.memory_space<hbm>> -> memref<40x125xi32, #tpu.memory_space<hbm>>
      tpu.enqueue_dma source(%dma_start3A_43 : memref<40x125xi32, #tpu.memory_space<hbm>>) target(%arg8 : memref<40x125xi32, #tpu.memory_space<vmem>>) target_semaphore(%run_scoped3A : memref<!tpu.dma_semaphore, #tpu.memory_space<semaphore_mem>>)
      %dma_wait3A = arith.constant 0 : i32
      %dma_wait3A_44 = arith.constant 0 : i32
      %dma_wait3A_45 = tpu.memref_slice %arg4[%add3A, %dma_wait3A, %dma_wait3A_44] : memref<32x80x125xi32, #tpu.memory_space<hbm>> -> memref<1x40x125xi32, #tpu.memory_space<hbm>>
      %dma_wait3A_46 = tpu.memref_squeeze %dma_wait3A_45 : memref<1x40x125xi32, #tpu.memory_space<hbm>> -> memref<40x125xi32, #tpu.memory_space<hbm>>
      %dma_wait3A_47 = arith.constant 0 : i32
      %dma_wait3A_48 = arith.constant 0 : i32
      %dma_wait3A_49 = tpu.memref_slice %arg4[%add3A, %dma_wait3A_47, %dma_wait3A_48] : memref<32x80x125xi32, #tpu.memory_space<hbm>> -> memref<1x40x125xi32, #tpu.memory_space<hbm>>
      %dma_wait3A_50 = tpu.memref_squeeze %dma_wait3A_49 : memref<1x40x125xi32, #tpu.memory_space<hbm>> -> memref<40x125xi32, #tpu.memory_space<hbm>>
      tpu.wait_dma2 semaphore(%run_scoped3A : memref<!tpu.dma_semaphore, #tpu.memory_space<semaphore_mem>>) src(%dma_wait3A_50 : memref<40x125xi32, #tpu.memory_space<hbm>>) dst(%arg8 : memref<40x125xi32, #tpu.memory_space<vmem>>)
      tpu.yield
    }) : () -> ()
    %dma_start3A = arith.constant 0 : i32
    %dma_start3A_5 = arith.constant 0 : i32
    %dma_start3A_6 = tpu.memref_slice %arg7[%dma_start3A, %dma_start3A_5] : memref<40x125xi32, #tpu.memory_space<vmem>> -> memref<1x125xi32, #tpu.memory_space<vmem>>
    %dma_start3A_7 = tpu.memref_squeeze %dma_start3A_6 : memref<1x125xi32, #tpu.memory_space<vmem>> -> memref<125xi32, #tpu.memory_space<vmem>>
    %dma_start3A_8 = arith.constant 0 : i32
    %dma_start3A_9 = arith.constant 0 : i32
    %dma_start3A_10 = tpu.memref_slice %arg2[%dma_start3A_8, %dma_start3A_9] : memref<10000x128xf32, #tpu.memory_space<hbm>> -> memref<10000x128xf32, #tpu.memory_space<hbm>>
    tpu.enqueue_indirect_dma source(%dma_start3A_10 : memref<10000x128xf32, #tpu.memory_space<hbm>>) target(%arg9 : memref<125x128xf32, #tpu.memory_space<vmem>>) offsets(%dma_start3A_7 : memref<125xi32, #tpu.memory_space<vmem>>) semaphore(%arg12 : memref<!tpu.dma_semaphore, #tpu.memory_space<semaphore_mem>>)
    %scan3A = arith.constant 0 : i32
    %scan3A_11 = arith.constant 0 : i32
    %scan3A_12 = arith.constant 20 : i32
    %scan3A_13 = arith.addi %scan3A_11, %scan3A_12 : i32
    %scan3A_14 = arith.constant 1 : i32
    %scan3A_15 = scf.for %scan3A_36 = %scan3A_11 to %scan3A_13 step %scan3A_14 iter_args(%scan3A_37 = %scan3A) -> (i32)  : i32 {
      %mul3A_38 = arith.constant 2 : i32
      %mul3A_39 = arith.muli %mul3A_38, %scan3A_36 : i32
      %dma_wait3A = arith.constant 0 : i32
      %dma_wait3A_40 = tpu.memref_slice %arg7[%mul3A_39, %dma_wait3A] : memref<40x125xi32, #tpu.memory_space<vmem>> -> memref<1x125xi32, #tpu.memory_space<vmem>>
      %dma_wait3A_41 = tpu.memref_squeeze %dma_wait3A_40 : memref<1x125xi32, #tpu.memory_space<vmem>> -> memref<125xi32, #tpu.memory_space<vmem>>
      %dma_wait3A_42 = arith.constant 0 : i32
      %dma_wait3A_43 = arith.constant 0 : i32
      %dma_wait3A_44 = tpu.memref_slice %arg2[%dma_wait3A_42, %dma_wait3A_43] : memref<10000x128xf32, #tpu.memory_space<hbm>> -> memref<10000x128xf32, #tpu.memory_space<hbm>>
      tpu.wait_indirect_dma semaphore(%arg12 : memref<!tpu.dma_semaphore, #tpu.memory_space<semaphore_mem>>) src(%dma_wait3A_44 : memref<10000x128xf32, #tpu.memory_space<hbm>>) dst(%arg9 : memref<125x128xf32, #tpu.memory_space<vmem>>)
      %add3A_45 = arith.constant 1 : i32
      %add3A_46 = arith.addi %mul3A_39, %add3A_45 : i32
      %lt3A = arith.constant 40 : i32
      %lt3A_47 = arith.cmpi slt, %add3A_46, %lt3A : i32
      %convert_element_type3A = arith.extui %lt3A_47 : i1 to i32
      %cond3A = arith.constant 0 : i32
      %cond3A_48 = arith.cmpi ne, %convert_element_type3A, %cond3A : i32
      scf.if %cond3A_48 {
        %add3A_91 = arith.constant 1 : i32
        %add3A_92 = arith.addi %mul3A_39, %add3A_91 : i32
        %dma_start3A_93 = arith.constant 0 : i32
        %dma_start3A_94 = tpu.memref_slice %arg7[%add3A_92, %dma_start3A_93] : memref<40x125xi32, #tpu.memory_space<vmem>> -> memref<1x125xi32, #tpu.memory_space<vmem>>
        %dma_start3A_95 = tpu.memref_squeeze %dma_start3A_94 : memref<1x125xi32, #tpu.memory_space<vmem>> -> memref<125xi32, #tpu.memory_space<vmem>>
        %dma_start3A_96 = arith.constant 0 : i32
        %dma_start3A_97 = arith.constant 0 : i32
        %dma_start3A_98 = tpu.memref_slice %arg2[%dma_start3A_96, %dma_start3A_97] : memref<10000x128xf32, #tpu.memory_space<hbm>> -> memref<10000x128xf32, #tpu.memory_space<hbm>>
        tpu.enqueue_indirect_dma source(%dma_start3A_98 : memref<10000x128xf32, #tpu.memory_space<hbm>>) target(%arg10 : memref<125x128xf32, #tpu.memory_space<vmem>>) offsets(%dma_start3A_95 : memref<125xi32, #tpu.memory_space<vmem>>) semaphore(%arg13 : memref<!tpu.dma_semaphore, #tpu.memory_space<semaphore_mem>>)
      } else {
      }
      %dma_start3A_49 = arith.constant 0 : i32
      %dma_start3A_50 = tpu.memref_slice %arg8[%mul3A_39, %dma_start3A_49] : memref<40x125xi32, #tpu.memory_space<vmem>> -> memref<1x125xi32, #tpu.memory_space<vmem>>
      %dma_start3A_51 = tpu.memref_squeeze %dma_start3A_50 : memref<1x125xi32, #tpu.memory_space<vmem>> -> memref<125xi32, #tpu.memory_space<vmem>>
      %dma_start3A_52 = arith.constant 0 : i32
      %dma_start3A_53 = arith.constant 0 : i32
      %dma_start3A_54 = tpu.memref_slice %arg11[%dma_start3A_52, %dma_start3A_53] : memref<10240x128xf32, #tpu.memory_space<vmem_shared>> -> memref<10240x128xf32, #tpu.memory_space<vmem_shared>>
      tpu.enqueue_indirect_dma source(%arg9 : memref<125x128xf32, #tpu.memory_space<vmem>>) target(%dma_start3A_54 : memref<10240x128xf32, #tpu.memory_space<vmem_shared>>) offsets(%dma_start3A_51 : memref<125xi32, #tpu.memory_space<vmem>>) semaphore(%arg14 : memref<!tpu.dma_semaphore, #tpu.memory_space<semaphore_mem>>) {add = true}
      %dma_wait3A_55 = arith.constant 0 : i32
      %dma_wait3A_56 = tpu.memref_slice %arg8[%mul3A_39, %dma_wait3A_55] : memref<40x125xi32, #tpu.memory_space<vmem>> -> memref<1x125xi32, #tpu.memory_space<vmem>>
      %dma_wait3A_57 = tpu.memref_squeeze %dma_wait3A_56 : memref<1x125xi32, #tpu.memory_space<vmem>> -> memref<125xi32, #tpu.memory_space<vmem>>
      %dma_wait3A_58 = arith.constant 0 : i32
      %dma_wait3A_59 = arith.constant 0 : i32
      %dma_wait3A_60 = tpu.memref_slice %arg11[%dma_wait3A_58, %dma_wait3A_59] : memref<10240x128xf32, #tpu.memory_space<vmem_shared>> -> memref<10240x128xf32, #tpu.memory_space<vmem_shared>>
      tpu.wait_indirect_dma semaphore(%arg14 : memref<!tpu.dma_semaphore, #tpu.memory_space<semaphore_mem>>) src(%arg9 : memref<125x128xf32, #tpu.memory_space<vmem>>) dst(%dma_wait3A_60 : memref<10240x128xf32, #tpu.memory_space<vmem_shared>>)
      %mul3A_61 = arith.constant 2 : i32
      %mul3A_62 = arith.muli %mul3A_61, %scan3A_36 : i32
      %add3A_63 = arith.constant 1 : i32
      %add3A_64 = arith.addi %mul3A_62, %add3A_63 : i32
      %dma_wait3A_65 = arith.constant 0 : i32
      %dma_wait3A_66 = tpu.memref_slice %arg7[%add3A_64, %dma_wait3A_65] : memref<40x125xi32, #tpu.memory_space<vmem>> -> memref<1x125xi32, #tpu.memory_space<vmem>>
      %dma_wait3A_67 = tpu.memref_squeeze %dma_wait3A_66 : memref<1x125xi32, #tpu.memory_space<vmem>> -> memref<125xi32, #tpu.memory_space<vmem>>
      %dma_wait3A_68 = arith.constant 0 : i32
      %dma_wait3A_69 = arith.constant 0 : i32
      %dma_wait3A_70 = tpu.memref_slice %arg2[%dma_wait3A_68, %dma_wait3A_69] : memref<10000x128xf32, #tpu.memory_space<hbm>> -> memref<10000x128xf32, #tpu.memory_space<hbm>>
      tpu.wait_indirect_dma semaphore(%arg13 : memref<!tpu.dma_semaphore, #tpu.memory_space<semaphore_mem>>) src(%dma_wait3A_70 : memref<10000x128xf32, #tpu.memory_space<hbm>>) dst(%arg10 : memref<125x128xf32, #tpu.memory_space<vmem>>)
      %add3A_71 = arith.constant 1 : i32
      %add3A_72 = arith.addi %add3A_64, %add3A_71 : i32
      %lt3A_73 = arith.constant 40 : i32
      %lt3A_74 = arith.cmpi slt, %add3A_72, %lt3A_73 : i32
      %convert_element_type3A_75 = arith.extui %lt3A_74 : i1 to i32
      %cond3A_76 = arith.constant 0 : i32
      %cond3A_77 = arith.cmpi ne, %convert_element_type3A_75, %cond3A_76 : i32
      scf.if %cond3A_77 {
        %add3A_91 = arith.constant 1 : i32
        %add3A_92 = arith.addi %add3A_64, %add3A_91 : i32
        %dma_start3A_93 = arith.constant 0 : i32
        %dma_start3A_94 = tpu.memref_slice %arg7[%add3A_92, %dma_start3A_93] : memref<40x125xi32, #tpu.memory_space<vmem>> -> memref<1x125xi32, #tpu.memory_space<vmem>>
        %dma_start3A_95 = tpu.memref_squeeze %dma_start3A_94 : memref<1x125xi32, #tpu.memory_space<vmem>> -> memref<125xi32, #tpu.memory_space<vmem>>
        %dma_start3A_96 = arith.constant 0 : i32
        %dma_start3A_97 = arith.constant 0 : i32
        %dma_start3A_98 = tpu.memref_slice %arg2[%dma_start3A_96, %dma_start3A_97] : memref<10000x128xf32, #tpu.memory_space<hbm>> -> memref<10000x128xf32, #tpu.memory_space<hbm>>
        tpu.enqueue_indirect_dma source(%dma_start3A_98 : memref<10000x128xf32, #tpu.memory_space<hbm>>) target(%arg9 : memref<125x128xf32, #tpu.memory_space<vmem>>) offsets(%dma_start3A_95 : memref<125xi32, #tpu.memory_space<vmem>>) semaphore(%arg12 : memref<!tpu.dma_semaphore, #tpu.memory_space<semaphore_mem>>)
      } else {
      }
      %dma_start3A_78 = arith.constant 0 : i32
      %dma_start3A_79 = tpu.memref_slice %arg8[%add3A_64, %dma_start3A_78] : memref<40x125xi32, #tpu.memory_space<vmem>> -> memref<1x125xi32, #tpu.memory_space<vmem>>
      %dma_start3A_80 = tpu.memref_squeeze %dma_start3A_79 : memref<1x125xi32, #tpu.memory_space<vmem>> -> memref<125xi32, #tpu.memory_space<vmem>>
      %dma_start3A_81 = arith.constant 0 : i32
      %dma_start3A_82 = arith.constant 0 : i32
      %dma_start3A_83 = tpu.memref_slice %arg11[%dma_start3A_81, %dma_start3A_82] : memref<10240x128xf32, #tpu.memory_space<vmem_shared>> -> memref<10240x128xf32, #tpu.memory_space<vmem_shared>>
      tpu.enqueue_indirect_dma source(%arg10 : memref<125x128xf32, #tpu.memory_space<vmem>>) target(%dma_start3A_83 : memref<10240x128xf32, #tpu.memory_space<vmem_shared>>) offsets(%dma_start3A_80 : memref<125xi32, #tpu.memory_space<vmem>>) semaphore(%arg15 : memref<!tpu.dma_semaphore, #tpu.memory_space<semaphore_mem>>) {add = true}
      %dma_wait3A_84 = arith.constant 0 : i32
      %dma_wait3A_85 = tpu.memref_slice %arg8[%add3A_64, %dma_wait3A_84] : memref<40x125xi32, #tpu.memory_space<vmem>> -> memref<1x125xi32, #tpu.memory_space<vmem>>
      %dma_wait3A_86 = tpu.memref_squeeze %dma_wait3A_85 : memref<1x125xi32, #tpu.memory_space<vmem>> -> memref<125xi32, #tpu.memory_space<vmem>>
      %dma_wait3A_87 = arith.constant 0 : i32
      %dma_wait3A_88 = arith.constant 0 : i32
      %dma_wait3A_89 = tpu.memref_slice %arg11[%dma_wait3A_87, %dma_wait3A_88] : memref<10240x128xf32, #tpu.memory_space<vmem_shared>> -> memref<10240x128xf32, #tpu.memory_space<vmem_shared>>
      tpu.wait_indirect_dma semaphore(%arg15 : memref<!tpu.dma_semaphore, #tpu.memory_space<semaphore_mem>>) src(%arg10 : memref<125x128xf32, #tpu.memory_space<vmem>>) dst(%dma_wait3A_89 : memref<10240x128xf32, #tpu.memory_space<vmem_shared>>)
      %scan3A_90 = arith.constant 0 : i32
      scf.yield %scan3A_90 : i32
    }
    %scan3A_16 = arith.constant 20 : i32
    "tpu.region"() ({
      %run_scoped3A = tpu.sem_alloc : memref<!tpu.dma_semaphore, #tpu.memory_space<semaphore_mem>>
      %dma_start3A_36 = arith.constant 40 : i32
      %dma_start3A_37 = arith.constant 0 : i32
      %dma_start3A_38 = tpu.memref_slice %arg3[%add3A, %dma_start3A_36, %dma_start3A_37] : memref<32x80x125xi32, #tpu.memory_space<hbm>> -> memref<1x40x125xi32, #tpu.memory_space<hbm>>
      %dma_start3A_39 = tpu.memref_squeeze %dma_start3A_38 : memref<1x40x125xi32, #tpu.memory_space<hbm>> -> memref<40x125xi32, #tpu.memory_space<hbm>>
      %dma_start3A_40 = arith.constant 40 : i32
      %dma_start3A_41 = arith.constant 0 : i32
      %dma_start3A_42 = tpu.memref_slice %arg3[%add3A, %dma_start3A_40, %dma_start3A_41] : memref<32x80x125xi32, #tpu.memory_space<hbm>> -> memref<1x40x125xi32, #tpu.memory_space<hbm>>
      %dma_start3A_43 = tpu.memref_squeeze %dma_start3A_42 : memref<1x40x125xi32, #tpu.memory_space<hbm>> -> memref<40x125xi32, #tpu.memory_space<hbm>>
      tpu.enqueue_dma source(%dma_start3A_43 : memref<40x125xi32, #tpu.memory_space<hbm>>) target(%arg7 : memref<40x125xi32, #tpu.memory_space<vmem>>) target_semaphore(%run_scoped3A : memref<!tpu.dma_semaphore, #tpu.memory_space<semaphore_mem>>)
      %dma_wait3A = arith.constant 40 : i32
      %dma_wait3A_44 = arith.constant 0 : i32
      %dma_wait3A_45 = tpu.memref_slice %arg3[%add3A, %dma_wait3A, %dma_wait3A_44] : memref<32x80x125xi32, #tpu.memory_space<hbm>> -> memref<1x40x125xi32, #tpu.memory_space<hbm>>
      %dma_wait3A_46 = tpu.memref_squeeze %dma_wait3A_45 : memref<1x40x125xi32, #tpu.memory_space<hbm>> -> memref<40x125xi32, #tpu.memory_space<hbm>>
      %dma_wait3A_47 = arith.constant 40 : i32
      %dma_wait3A_48 = arith.constant 0 : i32
      %dma_wait3A_49 = tpu.memref_slice %arg3[%add3A, %dma_wait3A_47, %dma_wait3A_48] : memref<32x80x125xi32, #tpu.memory_space<hbm>> -> memref<1x40x125xi32, #tpu.memory_space<hbm>>
      %dma_wait3A_50 = tpu.memref_squeeze %dma_wait3A_49 : memref<1x40x125xi32, #tpu.memory_space<hbm>> -> memref<40x125xi32, #tpu.memory_space<hbm>>
      tpu.wait_dma2 semaphore(%run_scoped3A : memref<!tpu.dma_semaphore, #tpu.memory_space<semaphore_mem>>) src(%dma_wait3A_50 : memref<40x125xi32, #tpu.memory_space<hbm>>) dst(%arg7 : memref<40x125xi32, #tpu.memory_space<vmem>>)
      tpu.yield
    }) : () -> ()
    "tpu.region"() ({
      %run_scoped3A = tpu.sem_alloc : memref<!tpu.dma_semaphore, #tpu.memory_space<semaphore_mem>>
      %dma_start3A_36 = arith.constant 40 : i32
      %dma_start3A_37 = arith.constant 0 : i32
      %dma_start3A_38 = tpu.memref_slice %arg4[%add3A, %dma_start3A_36, %dma_start3A_37] : memref<32x80x125xi32, #tpu.memory_space<hbm>> -> memref<1x40x125xi32, #tpu.memory_space<hbm>>
      %dma_start3A_39 = tpu.memref_squeeze %dma_start3A_38 : memref<1x40x125xi32, #tpu.memory_space<hbm>> -> memref<40x125xi32, #tpu.memory_space<hbm>>
      %dma_start3A_40 = arith.constant 40 : i32
      %dma_start3A_41 = arith.constant 0 : i32
      %dma_start3A_42 = tpu.memref_slice %arg4[%add3A, %dma_start3A_40, %dma_start3A_41] : memref<32x80x125xi32, #tpu.memory_space<hbm>> -> memref<1x40x125xi32, #tpu.memory_space<hbm>>
      %dma_start3A_43 = tpu.memref_squeeze %dma_start3A_42 : memref<1x40x125xi32, #tpu.memory_space<hbm>> -> memref<40x125xi32, #tpu.memory_space<hbm>>
      tpu.enqueue_dma source(%dma_start3A_43 : memref<40x125xi32, #tpu.memory_space<hbm>>) target(%arg8 : memref<40x125xi32, #tpu.memory_space<vmem>>) target_semaphore(%run_scoped3A : memref<!tpu.dma_semaphore, #tpu.memory_space<semaphore_mem>>)
      %dma_wait3A = arith.constant 40 : i32
      %dma_wait3A_44 = arith.constant 0 : i32
      %dma_wait3A_45 = tpu.memref_slice %arg4[%add3A, %dma_wait3A, %dma_wait3A_44] : memref<32x80x125xi32, #tpu.memory_space<hbm>> -> memref<1x40x125xi32, #tpu.memory_space<hbm>>
      %dma_wait3A_46 = tpu.memref_squeeze %dma_wait3A_45 : memref<1x40x125xi32, #tpu.memory_space<hbm>> -> memref<40x125xi32, #tpu.memory_space<hbm>>
      %dma_wait3A_47 = arith.constant 40 : i32
      %dma_wait3A_48 = arith.constant 0 : i32
      %dma_wait3A_49 = tpu.memref_slice %arg4[%add3A, %dma_wait3A_47, %dma_wait3A_48] : memref<32x80x125xi32, #tpu.memory_space<hbm>> -> memref<1x40x125xi32, #tpu.memory_space<hbm>>
      %dma_wait3A_50 = tpu.memref_squeeze %dma_wait3A_49 : memref<1x40x125xi32, #tpu.memory_space<hbm>> -> memref<40x125xi32, #tpu.memory_space<hbm>>
      tpu.wait_dma2 semaphore(%run_scoped3A : memref<!tpu.dma_semaphore, #tpu.memory_space<semaphore_mem>>) src(%dma_wait3A_50 : memref<40x125xi32, #tpu.memory_space<hbm>>) dst(%arg8 : memref<40x125xi32, #tpu.memory_space<vmem>>)
      tpu.yield
    }) : () -> ()
    %dma_start3A_17 = arith.constant 0 : i32
    %dma_start3A_18 = arith.constant 0 : i32
    %dma_start3A_19 = tpu.memref_slice %arg7[%dma_start3A_17, %dma_start3A_18] : memref<40x125xi32, #tpu.memory_space<vmem>> -> memref<1x125xi32, #tpu.memory_space<vmem>>
    %dma_start3A_20 = tpu.memref_squeeze %dma_start3A_19 : memref<1x125xi32, #tpu.memory_space<vmem>> -> memref<125xi32, #tpu.memory_space<vmem>>
    %dma_start3A_21 = arith.constant 0 : i32
    %dma_start3A_22 = arith.constant 0 : i32
    %dma_start3A_23 = tpu.memref_slice %arg2[%dma_start3A_21, %dma_start3A_22] : memref<10000x128xf32, #tpu.memory_space<hbm>> -> memref<10000x128xf32, #tpu.memory_space<hbm>>
    tpu.enqueue_indirect_dma source(%dma_start3A_23 : memref<10000x128xf32, #tpu.memory_space<hbm>>) target(%arg9 : memref<125x128xf32, #tpu.memory_space<vmem>>) offsets(%dma_start3A_20 : memref<125xi32, #tpu.memory_space<vmem>>) semaphore(%arg12 : memref<!tpu.dma_semaphore, #tpu.memory_space<semaphore_mem>>)
    %scan3A_24 = arith.constant 0 : i32
    %scan3A_25 = arith.constant 0 : i32
    %scan3A_26 = arith.constant 20 : i32
    %scan3A_27 = arith.addi %scan3A_25, %scan3A_26 : i32
    %scan3A_28 = arith.constant 1 : i32
    %scan3A_29 = scf.for %scan3A_36 = %scan3A_25 to %scan3A_27 step %scan3A_28 iter_args(%scan3A_37 = %scan3A_24) -> (i32)  : i32 {
      %mul3A_38 = arith.constant 2 : i32
      %mul3A_39 = arith.muli %mul3A_38, %scan3A_36 : i32
      %dma_wait3A = arith.constant 0 : i32
      %dma_wait3A_40 = tpu.memref_slice %arg7[%mul3A_39, %dma_wait3A] : memref<40x125xi32, #tpu.memory_space<vmem>> -> memref<1x125xi32, #tpu.memory_space<vmem>>
      %dma_wait3A_41 = tpu.memref_squeeze %dma_wait3A_40 : memref<1x125xi32, #tpu.memory_space<vmem>> -> memref<125xi32, #tpu.memory_space<vmem>>
      %dma_wait3A_42 = arith.constant 0 : i32
      %dma_wait3A_43 = arith.constant 0 : i32
      %dma_wait3A_44 = tpu.memref_slice %arg2[%dma_wait3A_42, %dma_wait3A_43] : memref<10000x128xf32, #tpu.memory_space<hbm>> -> memref<10000x128xf32, #tpu.memory_space<hbm>>
      tpu.wait_indirect_dma semaphore(%arg12 : memref<!tpu.dma_semaphore, #tpu.memory_space<semaphore_mem>>) src(%dma_wait3A_44 : memref<10000x128xf32, #tpu.memory_space<hbm>>) dst(%arg9 : memref<125x128xf32, #tpu.memory_space<vmem>>)
      %add3A_45 = arith.constant 1 : i32
      %add3A_46 = arith.addi %mul3A_39, %add3A_45 : i32
      %lt3A = arith.constant 40 : i32
      %lt3A_47 = arith.cmpi slt, %add3A_46, %lt3A : i32
      %convert_element_type3A = arith.extui %lt3A_47 : i1 to i32
      %cond3A = arith.constant 0 : i32
      %cond3A_48 = arith.cmpi ne, %convert_element_type3A, %cond3A : i32
      scf.if %cond3A_48 {
        %add3A_91 = arith.constant 1 : i32
        %add3A_92 = arith.addi %mul3A_39, %add3A_91 : i32
        %dma_start3A_93 = arith.constant 0 : i32
        %dma_start3A_94 = tpu.memref_slice %arg7[%add3A_92, %dma_start3A_93] : memref<40x125xi32, #tpu.memory_space<vmem>> -> memref<1x125xi32, #tpu.memory_space<vmem>>
        %dma_start3A_95 = tpu.memref_squeeze %dma_start3A_94 : memref<1x125xi32, #tpu.memory_space<vmem>> -> memref<125xi32, #tpu.memory_space<vmem>>
        %dma_start3A_96 = arith.constant 0 : i32
        %dma_start3A_97 = arith.constant 0 : i32
        %dma_start3A_98 = tpu.memref_slice %arg2[%dma_start3A_96, %dma_start3A_97] : memref<10000x128xf32, #tpu.memory_space<hbm>> -> memref<10000x128xf32, #tpu.memory_space<hbm>>
        tpu.enqueue_indirect_dma source(%dma_start3A_98 : memref<10000x128xf32, #tpu.memory_space<hbm>>) target(%arg10 : memref<125x128xf32, #tpu.memory_space<vmem>>) offsets(%dma_start3A_95 : memref<125xi32, #tpu.memory_space<vmem>>) semaphore(%arg13 : memref<!tpu.dma_semaphore, #tpu.memory_space<semaphore_mem>>)
      } else {
      }
      %dma_start3A_49 = arith.constant 0 : i32
      %dma_start3A_50 = tpu.memref_slice %arg8[%mul3A_39, %dma_start3A_49] : memref<40x125xi32, #tpu.memory_space<vmem>> -> memref<1x125xi32, #tpu.memory_space<vmem>>
      %dma_start3A_51 = tpu.memref_squeeze %dma_start3A_50 : memref<1x125xi32, #tpu.memory_space<vmem>> -> memref<125xi32, #tpu.memory_space<vmem>>
      %dma_start3A_52 = arith.constant 0 : i32
      %dma_start3A_53 = arith.constant 0 : i32
      %dma_start3A_54 = tpu.memref_slice %arg11[%dma_start3A_52, %dma_start3A_53] : memref<10240x128xf32, #tpu.memory_space<vmem_shared>> -> memref<10240x128xf32, #tpu.memory_space<vmem_shared>>
      tpu.enqueue_indirect_dma source(%arg9 : memref<125x128xf32, #tpu.memory_space<vmem>>) target(%dma_start3A_54 : memref<10240x128xf32, #tpu.memory_space<vmem_shared>>) offsets(%dma_start3A_51 : memref<125xi32, #tpu.memory_space<vmem>>) semaphore(%arg14 : memref<!tpu.dma_semaphore, #tpu.memory_space<semaphore_mem>>) {add = true}
      %dma_wait3A_55 = arith.constant 0 : i32
      %dma_wait3A_56 = tpu.memref_slice %arg8[%mul3A_39, %dma_wait3A_55] : memref<40x125xi32, #tpu.memory_space<vmem>> -> memref<1x125xi32, #tpu.memory_space<vmem>>
      %dma_wait3A_57 = tpu.memref_squeeze %dma_wait3A_56 : memref<1x125xi32, #tpu.memory_space<vmem>> -> memref<125xi32, #tpu.memory_space<vmem>>
      %dma_wait3A_58 = arith.constant 0 : i32
      %dma_wait3A_59 = arith.constant 0 : i32
      %dma_wait3A_60 = tpu.memref_slice %arg11[%dma_wait3A_58, %dma_wait3A_59] : memref<10240x128xf32, #tpu.memory_space<vmem_shared>> -> memref<10240x128xf32, #tpu.memory_space<vmem_shared>>
      tpu.wait_indirect_dma semaphore(%arg14 : memref<!tpu.dma_semaphore, #tpu.memory_space<semaphore_mem>>) src(%arg9 : memref<125x128xf32, #tpu.memory_space<vmem>>) dst(%dma_wait3A_60 : memref<10240x128xf32, #tpu.memory_space<vmem_shared>>)
      %mul3A_61 = arith.constant 2 : i32
      %mul3A_62 = arith.muli %mul3A_61, %scan3A_36 : i32
      %add3A_63 = arith.constant 1 : i32
      %add3A_64 = arith.addi %mul3A_62, %add3A_63 : i32
      %dma_wait3A_65 = arith.constant 0 : i32
      %dma_wait3A_66 = tpu.memref_slice %arg7[%add3A_64, %dma_wait3A_65] : memref<40x125xi32, #tpu.memory_space<vmem>> -> memref<1x125xi32, #tpu.memory_space<vmem>>
      %dma_wait3A_67 = tpu.memref_squeeze %dma_wait3A_66 : memref<1x125xi32, #tpu.memory_space<vmem>> -> memref<125xi32, #tpu.memory_space<vmem>>
      %dma_wait3A_68 = arith.constant 0 : i32
      %dma_wait3A_69 = arith.constant 0 : i32
      %dma_wait3A_70 = tpu.memref_slice %arg2[%dma_wait3A_68, %dma_wait3A_69] : memref<10000x128xf32, #tpu.memory_space<hbm>> -> memref<10000x128xf32, #tpu.memory_space<hbm>>
      tpu.wait_indirect_dma semaphore(%arg13 : memref<!tpu.dma_semaphore, #tpu.memory_space<semaphore_mem>>) src(%dma_wait3A_70 : memref<10000x128xf32, #tpu.memory_space<hbm>>) dst(%arg10 : memref<125x128xf32, #tpu.memory_space<vmem>>)
      %add3A_71 = arith.constant 1 : i32
      %add3A_72 = arith.addi %add3A_64, %add3A_71 : i32
      %lt3A_73 = arith.constant 40 : i32
      %lt3A_74 = arith.cmpi slt, %add3A_72, %lt3A_73 : i32
      %convert_element_type3A_75 = arith.extui %lt3A_74 : i1 to i32
      %cond3A_76 = arith.constant 0 : i32
      %cond3A_77 = arith.cmpi ne, %convert_element_type3A_75, %cond3A_76 : i32
      scf.if %cond3A_77 {
        %add3A_91 = arith.constant 1 : i32
        %add3A_92 = arith.addi %add3A_64, %add3A_91 : i32
        %dma_start3A_93 = arith.constant 0 : i32
        %dma_start3A_94 = tpu.memref_slice %arg7[%add3A_92, %dma_start3A_93] : memref<40x125xi32, #tpu.memory_space<vmem>> -> memref<1x125xi32, #tpu.memory_space<vmem>>
        %dma_start3A_95 = tpu.memref_squeeze %dma_start3A_94 : memref<1x125xi32, #tpu.memory_space<vmem>> -> memref<125xi32, #tpu.memory_space<vmem>>
        %dma_start3A_96 = arith.constant 0 : i32
        %dma_start3A_97 = arith.constant 0 : i32
        %dma_start3A_98 = tpu.memref_slice %arg2[%dma_start3A_96, %dma_start3A_97] : memref<10000x128xf32, #tpu.memory_space<hbm>> -> memref<10000x128xf32, #tpu.memory_space<hbm>>
        tpu.enqueue_indirect_dma source(%dma_start3A_98 : memref<10000x128xf32, #tpu.memory_space<hbm>>) target(%arg9 : memref<125x128xf32, #tpu.memory_space<vmem>>) offsets(%dma_start3A_95 : memref<125xi32, #tpu.memory_space<vmem>>) semaphore(%arg12 : memref<!tpu.dma_semaphore, #tpu.memory_space<semaphore_mem>>)
      } else {
      }
      %dma_start3A_78 = arith.constant 0 : i32
      %dma_start3A_79 = tpu.memref_slice %arg8[%add3A_64, %dma_start3A_78] : memref<40x125xi32, #tpu.memory_space<vmem>> -> memref<1x125xi32, #tpu.memory_space<vmem>>
      %dma_start3A_80 = tpu.memref_squeeze %dma_start3A_79 : memref<1x125xi32, #tpu.memory_space<vmem>> -> memref<125xi32, #tpu.memory_space<vmem>>
      %dma_start3A_81 = arith.constant 0 : i32
      %dma_start3A_82 = arith.constant 0 : i32
      %dma_start3A_83 = tpu.memref_slice %arg11[%dma_start3A_81, %dma_start3A_82] : memref<10240x128xf32, #tpu.memory_space<vmem_shared>> -> memref<10240x128xf32, #tpu.memory_space<vmem_shared>>
      tpu.enqueue_indirect_dma source(%arg10 : memref<125x128xf32, #tpu.memory_space<vmem>>) target(%dma_start3A_83 : memref<10240x128xf32, #tpu.memory_space<vmem_shared>>) offsets(%dma_start3A_80 : memref<125xi32, #tpu.memory_space<vmem>>) semaphore(%arg15 : memref<!tpu.dma_semaphore, #tpu.memory_space<semaphore_mem>>) {add = true}
      %dma_wait3A_84 = arith.constant 0 : i32
      %dma_wait3A_85 = tpu.memref_slice %arg8[%add3A_64, %dma_wait3A_84] : memref<40x125xi32, #tpu.memory_space<vmem>> -> memref<1x125xi32, #tpu.memory_space<vmem>>
      %dma_wait3A_86 = tpu.memref_squeeze %dma_wait3A_85 : memref<1x125xi32, #tpu.memory_space<vmem>> -> memref<125xi32, #tpu.memory_space<vmem>>
      %dma_wait3A_87 = arith.constant 0 : i32
      %dma_wait3A_88 = arith.constant 0 : i32
      %dma_wait3A_89 = tpu.memref_slice %arg11[%dma_wait3A_87, %dma_wait3A_88] : memref<10240x128xf32, #tpu.memory_space<vmem_shared>> -> memref<10240x128xf32, #tpu.memory_space<vmem_shared>>
      tpu.wait_indirect_dma semaphore(%arg15 : memref<!tpu.dma_semaphore, #tpu.memory_space<semaphore_mem>>) src(%arg10 : memref<125x128xf32, #tpu.memory_space<vmem>>) dst(%dma_wait3A_89 : memref<10240x128xf32, #tpu.memory_space<vmem_shared>>)
      %scan3A_90 = arith.constant 0 : i32
      scf.yield %scan3A_90 : i32
    }
    %scan3A_30 = arith.constant 20 : i32
    %barrier3A_31 = arith.constant 0 : index
    tpu.barrier barrier_id(%barrier3A_31)
    %mul3A_32 = arith.constant 640 : i32
    %mul3A_33 = arith.muli %arg1, %mul3A_32 : i32
    %mul3A_34 = arith.constant 640 : i32
    %mul3A_35 = arith.muli %arg1, %mul3A_34 : i32
    "tpu.region"() ({
      %run_scoped3A = tpu.sem_alloc : memref<!tpu.dma_semaphore, #tpu.memory_space<semaphore_mem>>
      %dma_start3A_36 = arith.constant 0 : i32
      %dma_start3A_37 = tpu.memref_slice %arg6[%arg0, %mul3A_35, %dma_start3A_36] : memref<2x10240x128xf32, #tpu.memory_space<hbm>> -> memref<1x640x128xf32, #tpu.memory_space<hbm>>
      %dma_start3A_38 = tpu.memref_squeeze %dma_start3A_37 : memref<1x640x128xf32, #tpu.memory_space<hbm>> -> memref<640x128xf32, #tpu.memory_space<hbm>>
      %dma_start3A_39 = arith.constant 0 : i32
      %dma_start3A_40 = tpu.memref_slice %arg11[%mul3A_33, %dma_start3A_39] : memref<10240x128xf32, #tpu.memory_space<vmem_shared>> -> memref<640x128xf32, #tpu.memory_space<vmem_shared>>
      tpu.enqueue_dma source(%dma_start3A_40 : memref<640x128xf32, #tpu.memory_space<vmem_shared>>) target(%dma_start3A_38 : memref<640x128xf32, #tpu.memory_space<hbm>>) target_semaphore(%run_scoped3A : memref<!tpu.dma_semaphore, #tpu.memory_space<semaphore_mem>>)
      %dma_wait3A = arith.constant 0 : i32
      %dma_wait3A_41 = tpu.memref_slice %arg6[%arg0, %mul3A_35, %dma_wait3A] : memref<2x10240x128xf32, #tpu.memory_space<hbm>> -> memref<1x640x128xf32, #tpu.memory_space<hbm>>
      %dma_wait3A_42 = tpu.memref_squeeze %dma_wait3A_41 : memref<1x640x128xf32, #tpu.memory_space<hbm>> -> memref<640x128xf32, #tpu.memory_space<hbm>>
      %dma_wait3A_43 = arith.constant 0 : i32
      %dma_wait3A_44 = tpu.memref_slice %arg11[%mul3A_33, %dma_wait3A_43] : memref<10240x128xf32, #tpu.memory_space<vmem_shared>> -> memref<640x128xf32, #tpu.memory_space<vmem_shared>>
      tpu.wait_dma2 semaphore(%run_scoped3A : memref<!tpu.dma_semaphore, #tpu.memory_space<semaphore_mem>>) src(%dma_wait3A_44 : memref<640x128xf32, #tpu.memory_space<vmem_shared>>) dst(%dma_wait3A_42 : memref<640x128xf32, #tpu.memory_space<hbm>>)
      tpu.yield
    }) : () -> ()
    return
  }
}

module attributes {stable_mosaic.version = 14 : i64} {
  func.func @body(%arg0: i32, %arg1: memref<1000x128xf32, #tpu.memory_space<vmem>>, %arg2: memref<128x128xf32, #tpu.memory_space<vmem>>, %arg3: memref<1x128xf32, #tpu.memory_space<vmem>>, %arg4: memref<1000x128xf32, #tpu.memory_space<vmem>>) attributes {dimension_semantics = [#tpu.dimension_semantics<arbitrary>], iteration_bounds = array<i64: 10>, scalar_prefetch = 0 : i64, scratch_operands = 0 : i64, tpu.core_type = #tpu.core_type<tc>, window_params = [{transform_indices = @transform_0, window_bounds = array<i64: 1000, 128>}, {pipeline_mode = #tpu.pipeline_mode<synchronous>, transform_indices = @transform_1, window_bounds = array<i64: 128, 128>}, {pipeline_mode = #tpu.pipeline_mode<synchronous>, transform_indices = @transform_2, window_bounds = array<i64: 1, 128>}, {transform_indices = @transform_3, window_bounds = array<i64: 1000, 128>}]} {
    %get3A = arith.constant 0 : index
    %get3A_0 = arith.constant 0 : index
    %get3A_1 = vector.load %arg1[%get3A, %get3A_0] : memref<1000x128xf32, #tpu.memory_space<vmem>>, vector<1000x128xf32>
    %get3A_2 = arith.constant 0 : index
    %get3A_3 = arith.constant 0 : index
    %get3A_4 = vector.load %arg2[%get3A_2, %get3A_3] : memref<128x128xf32, #tpu.memory_space<vmem>>, vector<128x128xf32>
    %dot_general3A = arith.constant dense<0.000000e+00> : vector<1000x128xf32>
    %dot_general3A_5 = tpu.matmul %get3A_1, %get3A_4, %dot_general3A {dimension_numbers = #tpu.dot_dimension_numbers<[1], [0], [0], [1], [0, 0, 1, 1], [], []>, transpose_lhs_hint = false} : vector<1000x128xf32>, vector<128x128xf32>, vector<1000x128xf32> -> vector<1000x128xf32>
    %get3A_6 = arith.constant 0 : index
    %get3A_7 = arith.constant 0 : index
    %get3A_8 = vector.load %arg3[%get3A_6, %get3A_7] : memref<1x128xf32, #tpu.memory_space<vmem>>, vector<1x128xf32>
    %add3A = vector.broadcast %get3A_8 : vector<1x128xf32> to vector<1000x128xf32>
    %add3A_9 = arith.addf %dot_general3A_5, %add3A : vector<1000x128xf32>
    %gt3A = arith.constant 0.000000e+00 : f32
    %gt3A_10 = vector.broadcast %gt3A : f32 to vector<1000x128xf32>
    %gt3A_11 = arith.cmpf ogt, %add3A_9, %gt3A_10 : vector<1000x128xf32>
    %min3A = arith.constant 0.000000e+00 : f32
    %min3A_12 = vector.broadcast %min3A : f32 to vector<1000x128xf32>
    %min3A_13 = arith.minimumf %add3A_9, %min3A_12 : vector<1000x128xf32>
    %exp3A = math.exp %min3A_13 : vector<1000x128xf32>
    %sub3A = arith.constant 1.000000e+00 : f32
    %sub3A_14 = vector.broadcast %sub3A : f32 to vector<1000x128xf32>
    %sub3A_15 = arith.subf %exp3A, %sub3A_14 : vector<1000x128xf32>
    %select_n3A = arith.select %gt3A_11, %add3A_9, %sub3A_15 : vector<1000x128xi1>, vector<1000x128xf32>
    %swap3A = arith.constant 0 : index
    %swap3A_16 = arith.constant 0 : index
    %swap3A_17 = vector.load %arg4[%swap3A, %swap3A_16] : memref<1000x128xf32, #tpu.memory_space<vmem>>, vector<1000x128xf32>
    tpu.vector_store %arg4[%swap3A, %swap3A_16], %select_n3A {strides = array<i32>} : memref<1000x128xf32, #tpu.memory_space<vmem>>, vector<1000x128xf32>,
    return
  }
  func.func @transform_0(%arg0: i32) -> (i32, i32) {
    %c0_i32 = arith.constant 0 : i32
    %c0_i32_0 = arith.constant 0 : i32
    return %arg0, %c0_i32 : i32, i32
  }
  func.func @transform_1(%arg0: i32) -> (i32, i32) {
    %c0_i32 = arith.constant 0 : i32
    %c0_i32_0 = arith.constant 0 : i32
    %c0_i32_1 = arith.constant 0 : i32
    return %c0_i32, %c0_i32_0 : i32, i32
  }
  func.func @transform_2(%arg0: i32) -> (i32, i32) {
    %c0_i32 = arith.constant 0 : i32
    %c0_i32_0 = arith.constant 0 : i32
    %c0_i32_1 = arith.constant 0 : i32
    return %c0_i32, %c0_i32_0 : i32, i32
  }
  func.func @transform_3(%arg0: i32) -> (i32, i32) {
    %c0_i32 = arith.constant 0 : i32
    %c0_i32_0 = arith.constant 0 : i32
    return %arg0, %c0_i32 : i32, i32
  }
}

module attributes {stable_mosaic.version = 14 : i64} {
  func.func @body(%arg0: i32, %arg1: memref<2x1000x128xf32, #tpu.memory_space<vmem>>, %arg2: memref<1000x128xf32, #tpu.memory_space<vmem>>, %arg3: memref<128x128xf32, #tpu.memory_space<vmem>>, %arg4: memref<1x128xf32, #tpu.memory_space<vmem>>, %arg5: memref<128x128xf32, #tpu.memory_space<vmem>>, %arg6: memref<1x128xf32, #tpu.memory_space<vmem>>, %arg7: memref<1000x128xf32, #tpu.memory_space<vmem>>, %arg8: memref<1000x128xf32, #tpu.memory_space<vmem>>) attributes {dimension_semantics = [#tpu.dimension_semantics<arbitrary>], iteration_bounds = array<i64: 10>, scalar_prefetch = 0 : i64, scratch_operands = 0 : i64, tpu.core_type = #tpu.core_type<tc>, window_params = [{transform_indices = @transform_0, window_bounds = array<i64: 2, 1000, 128>}, {transform_indices = @transform_1, window_bounds = array<i64: 1000, 128>}, {pipeline_mode = #tpu.pipeline_mode<synchronous>, transform_indices = @transform_2, window_bounds = array<i64: 128, 128>}, {pipeline_mode = #tpu.pipeline_mode<synchronous>, transform_indices = @transform_3, window_bounds = array<i64: 1, 128>}, {pipeline_mode = #tpu.pipeline_mode<synchronous>, transform_indices = @transform_4, window_bounds = array<i64: 128, 128>}, {pipeline_mode = #tpu.pipeline_mode<synchronous>, transform_indices = @transform_5, window_bounds = array<i64: 1, 128>}, {transform_indices = @transform_6, window_bounds = array<i64: 1000, 128>}, {transform_indices = @transform_7, window_bounds = array<i64: 1000, 128>}]} {
    %get3A = arith.constant 0 : index
    %get3A_0 = arith.constant 0 : index
    %get3A_1 = arith.constant 0 : index
    %get3A_2 = vector.load %arg1[%get3A, %get3A_0, %get3A_1] : memref<2x1000x128xf32, #tpu.memory_space<vmem>>, vector<1x1000x128xf32>
    %get3A_3 = vector.shape_cast %get3A_2 : vector<1x1000x128xf32> to vector<1000x128xf32>
    %get3A_4 = arith.constant 1 : index
    %get3A_5 = arith.constant 0 : index
    %get3A_6 = arith.constant 0 : index
    %get3A_7 = vector.load %arg1[%get3A_4, %get3A_5, %get3A_6] : memref<2x1000x128xf32, #tpu.memory_space<vmem>>, vector<1x1000x128xf32>
    %get3A_8 = vector.shape_cast %get3A_7 : vector<1x1000x128xf32> to vector<1000x128xf32>
    %add3A = arith.addf %get3A_3, %get3A_8 : vector<1000x128xf32>
    %get3A_9 = arith.constant 0 : index
    %get3A_10 = arith.constant 0 : index
    %get3A_11 = vector.load %arg3[%get3A_9, %get3A_10] : memref<128x128xf32, #tpu.memory_space<vmem>>, vector<128x128xf32>
    %dot_general3A = arith.constant dense<0.000000e+00> : vector<1000x128xf32>
    %dot_general3A_12 = tpu.matmul %add3A, %get3A_11, %dot_general3A {dimension_numbers = #tpu.dot_dimension_numbers<[1], [0], [0], [1], [0, 0, 1, 1], [], []>, transpose_lhs_hint = false} : vector<1000x128xf32>, vector<128x128xf32>, vector<1000x128xf32> -> vector<1000x128xf32>
    %get3A_13 = arith.constant 0 : index
    %get3A_14 = arith.constant 0 : index
    %get3A_15 = vector.load %arg4[%get3A_13, %get3A_14] : memref<1x128xf32, #tpu.memory_space<vmem>>, vector<1x128xf32>
    %add3A_16 = vector.broadcast %get3A_15 : vector<1x128xf32> to vector<1000x128xf32>
    %add3A_17 = arith.addf %dot_general3A_12, %add3A_16 : vector<1000x128xf32>
    %gt3A = arith.constant 0.000000e+00 : f32
    %gt3A_18 = vector.broadcast %gt3A : f32 to vector<1000x128xf32>
    %gt3A_19 = arith.cmpf ogt, %add3A_17, %gt3A_18 : vector<1000x128xf32>
    %min3A = arith.constant 0.000000e+00 : f32
    %min3A_20 = vector.broadcast %min3A : f32 to vector<1000x128xf32>
    %min3A_21 = arith.minimumf %add3A_17, %min3A_20 : vector<1000x128xf32>
    %exp3A = math.exp %min3A_21 : vector<1000x128xf32>
    %sub3A = arith.constant 1.000000e+00 : f32
    %sub3A_22 = vector.broadcast %sub3A : f32 to vector<1000x128xf32>
    %sub3A_23 = arith.subf %exp3A, %sub3A_22 : vector<1000x128xf32>
    %select_n3A = arith.select %gt3A_19, %add3A_17, %sub3A_23 : vector<1000x128xi1>, vector<1000x128xf32>
    %get3A_24 = arith.constant 0 : index
    %get3A_25 = arith.constant 0 : index
    %get3A_26 = vector.load %arg2[%get3A_24, %get3A_25] : memref<1000x128xf32, #tpu.memory_space<vmem>>, vector<1000x128xf32>
    %add3A_27 = arith.addf %select_n3A, %get3A_26 : vector<1000x128xf32>
    %swap3A = arith.constant 0 : index
    %swap3A_28 = arith.constant 0 : index
    %swap3A_29 = vector.load %arg7[%swap3A, %swap3A_28] : memref<1000x128xf32, #tpu.memory_space<vmem>>, vector<1000x128xf32>
    tpu.vector_store %arg7[%swap3A, %swap3A_28], %add3A_27 {strides = array<i32>} : memref<1000x128xf32, #tpu.memory_space<vmem>>, vector<1000x128xf32>,
    %get3A_30 = arith.constant 0 : index
    %get3A_31 = arith.constant 0 : index
    %get3A_32 = vector.load %arg5[%get3A_30, %get3A_31] : memref<128x128xf32, #tpu.memory_space<vmem>>, vector<128x128xf32>
    %dot_general3A_33 = arith.constant dense<0.000000e+00> : vector<1000x128xf32>
    %dot_general3A_34 = tpu.matmul %add3A_27, %get3A_32, %dot_general3A_33 {dimension_numbers = #tpu.dot_dimension_numbers<[1], [0], [0], [1], [0, 0, 1, 1], [], []>, transpose_lhs_hint = false} : vector<1000x128xf32>, vector<128x128xf32>, vector<1000x128xf32> -> vector<1000x128xf32>
    %get3A_35 = arith.constant 0 : index
    %get3A_36 = arith.constant 0 : index
    %get3A_37 = vector.load %arg6[%get3A_35, %get3A_36] : memref<1x128xf32, #tpu.memory_space<vmem>>, vector<1x128xf32>
    %add3A_38 = vector.broadcast %get3A_37 : vector<1x128xf32> to vector<1000x128xf32>
    %add3A_39 = arith.addf %dot_general3A_34, %add3A_38 : vector<1000x128xf32>
    %gt3A_40 = arith.constant 0.000000e+00 : f32
    %gt3A_41 = vector.broadcast %gt3A_40 : f32 to vector<1000x128xf32>
    %gt3A_42 = arith.cmpf ogt, %add3A_39, %gt3A_41 : vector<1000x128xf32>
    %min3A_43 = arith.constant 0.000000e+00 : f32
    %min3A_44 = vector.broadcast %min3A_43 : f32 to vector<1000x128xf32>
    %min3A_45 = arith.minimumf %add3A_39, %min3A_44 : vector<1000x128xf32>
    %exp3A_46 = math.exp %min3A_45 : vector<1000x128xf32>
    %sub3A_47 = arith.constant 1.000000e+00 : f32
    %sub3A_48 = vector.broadcast %sub3A_47 : f32 to vector<1000x128xf32>
    %sub3A_49 = arith.subf %exp3A_46, %sub3A_48 : vector<1000x128xf32>
    %select_n3A_50 = arith.select %gt3A_42, %add3A_39, %sub3A_49 : vector<1000x128xi1>, vector<1000x128xf32>
    %swap3A_51 = arith.constant 0 : index
    %swap3A_52 = arith.constant 0 : index
    %swap3A_53 = vector.load %arg8[%swap3A_51, %swap3A_52] : memref<1000x128xf32, #tpu.memory_space<vmem>>, vector<1000x128xf32>
    tpu.vector_store %arg8[%swap3A_51, %swap3A_52], %select_n3A_50 {strides = array<i32>} : memref<1000x128xf32, #tpu.memory_space<vmem>>, vector<1000x128xf32>,
    return
  }
  func.func @transform_0(%arg0: i32) -> (i32, i32, i32) {
    %c0_i32 = arith.constant 0 : i32
    %c0_i32_0 = arith.constant 0 : i32
    %c0_i32_1 = arith.constant 0 : i32
    return %c0_i32, %arg0, %c0_i32_0 : i32, i32, i32
  }
  func.func @transform_1(%arg0: i32) -> (i32, i32) {
    %c0_i32 = arith.constant 0 : i32
    %c0_i32_0 = arith.constant 0 : i32
    return %arg0, %c0_i32 : i32, i32
  }
  func.func @transform_2(%arg0: i32) -> (i32, i32) {
    %c0_i32 = arith.constant 0 : i32
    %c0_i32_0 = arith.constant 0 : i32
    %c0_i32_1 = arith.constant 0 : i32
    return %c0_i32, %c0_i32_0 : i32, i32
  }
  func.func @transform_3(%arg0: i32) -> (i32, i32) {
    %c0_i32 = arith.constant 0 : i32
    %c0_i32_0 = arith.constant 0 : i32
    %c0_i32_1 = arith.constant 0 : i32
    return %c0_i32, %c0_i32_0 : i32, i32
  }
  func.func @transform_4(%arg0: i32) -> (i32, i32) {
    %c0_i32 = arith.constant 0 : i32
    %c0_i32_0 = arith.constant 0 : i32
    %c0_i32_1 = arith.constant 0 : i32
    return %c0_i32, %c0_i32_0 : i32, i32
  }
  func.func @transform_5(%arg0: i32) -> (i32, i32) {
    %c0_i32 = arith.constant 0 : i32
    %c0_i32_0 = arith.constant 0 : i32
    %c0_i32_1 = arith.constant 0 : i32
    return %c0_i32, %c0_i32_0 : i32, i32
  }
  func.func @transform_6(%arg0: i32) -> (i32, i32) {
    %c0_i32 = arith.constant 0 : i32
    %c0_i32_0 = arith.constant 0 : i32
    return %arg0, %c0_i32 : i32, i32
  }
  func.func @transform_7(%arg0: i32) -> (i32, i32) {
    %c0_i32 = arith.constant 0 : i32
    %c0_i32_0 = arith.constant 0 : i32
    return %arg0, %c0_i32 : i32, i32
  }
}

module attributes {stable_mosaic.version = 14 : i64} {
  func.func @body(%arg0: i32, %arg1: memref<2x1000x128xf32, #tpu.memory_space<vmem>>, %arg2: memref<1000x128xf32, #tpu.memory_space<vmem>>, %arg3: memref<128x128xf32, #tpu.memory_space<vmem>>, %arg4: memref<1x128xf32, #tpu.memory_space<vmem>>, %arg5: memref<128x128xf32, #tpu.memory_space<vmem>>, %arg6: memref<1x128xf32, #tpu.memory_space<vmem>>, %arg7: memref<256x128xf32, #tpu.memory_space<vmem>>, %arg8: memref<1x128xf32, #tpu.memory_space<vmem>>, %arg9: memref<128x128xf32, #tpu.memory_space<vmem>>, %arg10: memref<1x128xf32, #tpu.memory_space<vmem>>, %arg11: memref<1x128xf32, #tpu.memory_space<vmem>>, %arg12: memref<1x128xf32, #tpu.memory_space<vmem>>, %arg13: memref<1x128xf32, #tpu.memory_space<vmem>>) attributes {dimension_semantics = [#tpu.dimension_semantics<arbitrary>], iteration_bounds = array<i64: 10>, scalar_prefetch = 0 : i64, scratch_operands = 2 : i64, tpu.core_type = #tpu.core_type<tc>, window_params = [{transform_indices = @transform_0, window_bounds = array<i64: 2, 1000, 128>}, {transform_indices = @transform_1, window_bounds = array<i64: 1000, 128>}, {pipeline_mode = #tpu.pipeline_mode<synchronous>, transform_indices = @transform_2, window_bounds = array<i64: 128, 128>}, {pipeline_mode = #tpu.pipeline_mode<synchronous>, transform_indices = @transform_3, window_bounds = array<i64: 1, 128>}, {pipeline_mode = #tpu.pipeline_mode<synchronous>, transform_indices = @transform_4, window_bounds = array<i64: 128, 128>}, {pipeline_mode = #tpu.pipeline_mode<synchronous>, transform_indices = @transform_5, window_bounds = array<i64: 1, 128>}, {pipeline_mode = #tpu.pipeline_mode<synchronous>, transform_indices = @transform_6, window_bounds = array<i64: 256, 128>}, {pipeline_mode = #tpu.pipeline_mode<synchronous>, transform_indices = @transform_7, window_bounds = array<i64: 1, 128>}, {pipeline_mode = #tpu.pipeline_mode<synchronous>, transform_indices = @transform_8, window_bounds = array<i64: 128, 128>}, {pipeline_mode = #tpu.pipeline_mode<synchronous>, transform_indices = @transform_9, window_bounds = array<i64: 1, 128>}, {pipeline_mode = #tpu.pipeline_mode<synchronous>, transform_indices = @transform_10, window_bounds = array<i64: 1, 128>}]} {
    %get3A = arith.constant 0 : index
    %get3A_0 = arith.constant 0 : index
    %get3A_1 = arith.constant 0 : index
    %get3A_2 = vector.load %arg1[%get3A, %get3A_0, %get3A_1] : memref<2x1000x128xf32, #tpu.memory_space<vmem>>, vector<1x1000x128xf32>
    %get3A_3 = vector.shape_cast %get3A_2 : vector<1x1000x128xf32> to vector<1000x128xf32>
    %get3A_4 = arith.constant 1 : index
    %get3A_5 = arith.constant 0 : index
    %get3A_6 = arith.constant 0 : index
    %get3A_7 = vector.load %arg1[%get3A_4, %get3A_5, %get3A_6] : memref<2x1000x128xf32, #tpu.memory_space<vmem>>, vector<1x1000x128xf32>
    %get3A_8 = vector.shape_cast %get3A_7 : vector<1x1000x128xf32> to vector<1000x128xf32>
    %add3A = arith.addf %get3A_3, %get3A_8 : vector<1000x128xf32>
    %get3A_9 = arith.constant 0 : index
    %get3A_10 = arith.constant 0 : index
    %get3A_11 = vector.load %arg3[%get3A_9, %get3A_10] : memref<128x128xf32, #tpu.memory_space<vmem>>, vector<128x128xf32>
    %dot_general3A = arith.constant dense<0.000000e+00> : vector<1000x128xf32>
    %dot_general3A_12 = tpu.matmul %add3A, %get3A_11, %dot_general3A {dimension_numbers = #tpu.dot_dimension_numbers<[1], [0], [0], [1], [0, 0, 1, 1], [], []>, transpose_lhs_hint = false} : vector<1000x128xf32>, vector<128x128xf32>, vector<1000x128xf32> -> vector<1000x128xf32>
    %get3A_13 = arith.constant 0 : index
    %get3A_14 = arith.constant 0 : index
    %get3A_15 = vector.load %arg4[%get3A_13, %get3A_14] : memref<1x128xf32, #tpu.memory_space<vmem>>, vector<1x128xf32>
    %add3A_16 = vector.broadcast %get3A_15 : vector<1x128xf32> to vector<1000x128xf32>
    %add3A_17 = arith.addf %dot_general3A_12, %add3A_16 : vector<1000x128xf32>
    %gt3A = arith.constant 0.000000e+00 : f32
    %gt3A_18 = vector.broadcast %gt3A : f32 to vector<1000x128xf32>
    %gt3A_19 = arith.cmpf ogt, %add3A_17, %gt3A_18 : vector<1000x128xf32>
    %min3A = arith.constant 0.000000e+00 : f32
    %min3A_20 = vector.broadcast %min3A : f32 to vector<1000x128xf32>
    %min3A_21 = arith.minimumf %add3A_17, %min3A_20 : vector<1000x128xf32>
    %exp3A = math.exp %min3A_21 : vector<1000x128xf32>
    %sub3A = arith.constant 1.000000e+00 : f32
    %sub3A_22 = vector.broadcast %sub3A : f32 to vector<1000x128xf32>
    %sub3A_23 = arith.subf %exp3A, %sub3A_22 : vector<1000x128xf32>
    %select_n3A = arith.select %gt3A_19, %add3A_17, %sub3A_23 : vector<1000x128xi1>, vector<1000x128xf32>
    %get3A_24 = arith.constant 0 : index
    %get3A_25 = arith.constant 0 : index
    %get3A_26 = vector.load %arg2[%get3A_24, %get3A_25] : memref<1000x128xf32, #tpu.memory_space<vmem>>, vector<1000x128xf32>
    %add3A_27 = arith.addf %select_n3A, %get3A_26 : vector<1000x128xf32>
    %get3A_28 = arith.constant 0 : index
    %get3A_29 = arith.constant 0 : index
    %get3A_30 = vector.load %arg5[%get3A_28, %get3A_29] : memref<128x128xf32, #tpu.memory_space<vmem>>, vector<128x128xf32>
    %dot_general3A_31 = arith.constant dense<0.000000e+00> : vector<1000x128xf32>
    %dot_general3A_32 = tpu.matmul %add3A_27, %get3A_30, %dot_general3A_31 {dimension_numbers = #tpu.dot_dimension_numbers<[1], [0], [0], [1], [0, 0, 1, 1], [], []>, transpose_lhs_hint = false} : vector<1000x128xf32>, vector<128x128xf32>, vector<1000x128xf32> -> vector<1000x128xf32>
    %get3A_33 = arith.constant 0 : index
    %get3A_34 = arith.constant 0 : index
    %get3A_35 = vector.load %arg6[%get3A_33, %get3A_34] : memref<1x128xf32, #tpu.memory_space<vmem>>, vector<1x128xf32>
    %add3A_36 = vector.broadcast %get3A_35 : vector<1x128xf32> to vector<1000x128xf32>
    %add3A_37 = arith.addf %dot_general3A_32, %add3A_36 : vector<1000x128xf32>
    %slice3A = vector.extract_strided_slice %add3A_37 {offsets = [0, 0], sizes = [1000, 1], strides = [1, 1]} : vector<1000x128xf32> to vector<1000x1xf32>
    %neg3A = arith.constant 0.000000e+00 : f32
    %neg3A_38 = vector.broadcast %neg3A : f32 to vector<1000x1xf32>
    %neg3A_39 = arith.subf %neg3A_38, %slice3A : vector<1000x1xf32>
    %exp3A_40 = math.exp %neg3A_39 : vector<1000x1xf32>
    %add3A_41 = arith.constant 1.000000e+00 : f32
    %add3A_42 = vector.broadcast %add3A_41 : f32 to vector<1000x1xf32>
    %add3A_43 = arith.addf %add3A_42, %exp3A_40 : vector<1000x1xf32>
    %div3A = arith.constant 1.000000e+00 : f32
    %div3A_44 = vector.broadcast %div3A : f32 to vector<1000x1xf32>
    %div3A_45 = arith.divf %div3A_44, %add3A_43 : vector<1000x1xf32>
    %mul3A = vector.broadcast %div3A_45 : vector<1000x1xf32> to vector<1000x128xf32>
    %mul3A_46 = arith.mulf %mul3A, %add3A_27 : vector<1000x128xf32>
    %reduce_sum3A = arith.constant dense<0.000000e+00> : vector<128xf32>
    %reduce_sum3A_47 = vector.multi_reduction <add>, %mul3A_46, %reduce_sum3A [0] : vector<1000x128xf32> to vector<128xf32>
    %broadcast_in_dim3A = vector.shape_cast %reduce_sum3A_47 : vector<128xf32> to vector<1x128xf32>
    %reduce_max3A = arith.constant dense<0xFF800000> : vector<128xf32>
    %reduce_max3A_48 = vector.multi_reduction <maximumf>, %add3A_27, %reduce_max3A [0] : vector<1000x128xf32> to vector<128xf32>
    %broadcast_in_dim3A_49 = vector.shape_cast %reduce_max3A_48 : vector<128xf32> to vector<1x128xf32>
    %eq3A = arith.constant 0 : i32
    %eq3A_50 = arith.cmpi eq, %arg0, %eq3A : i32
    %convert_element_type3A = arith.extui %eq3A_50 : i1 to i32
    %cond3A = arith.constant 0 : i32
    %cond3A_51 = arith.cmpi ne, %convert_element_type3A, %cond3A : i32
    scf.if %cond3A_51 {
      %swap3A = arith.constant 0 : index
      %swap3A_62 = arith.constant 0 : index
      %swap3A_63 = vector.load %arg12[%swap3A, %swap3A_62] : memref<1x128xf32, #tpu.memory_space<vmem>>, vector<1x128xf32>
      tpu.vector_store %arg12[%swap3A, %swap3A_62], %broadcast_in_dim3A {strides = array<i32>} : memref<1x128xf32, #tpu.memory_space<vmem>>, vector<1x128xf32>,
      %swap3A_64 = arith.constant 0 : index
      %swap3A_65 = arith.constant 0 : index
      %swap3A_66 = vector.load %arg13[%swap3A_64, %swap3A_65] : memref<1x128xf32, #tpu.memory_space<vmem>>, vector<1x128xf32>
      tpu.vector_store %arg13[%swap3A_64, %swap3A_65], %broadcast_in_dim3A_49 {strides = array<i32>} : memref<1x128xf32, #tpu.memory_space<vmem>>, vector<1x128xf32>,
    } else {
    }
    %gt3A_52 = arith.constant 0 : i32
    %gt3A_53 = arith.cmpi sgt, %arg0, %gt3A_52 : i32
    %convert_element_type3A_54 = arith.extui %gt3A_53 : i1 to i32
    %cond3A_55 = arith.constant 0 : i32
    %cond3A_56 = arith.cmpi ne, %convert_element_type3A_54, %cond3A_55 : i32
    scf.if %cond3A_56 {
      %get3A_62 = arith.constant 0 : index
      %get3A_63 = arith.constant 0 : index
      %get3A_64 = vector.load %arg12[%get3A_62, %get3A_63] : memref<1x128xf32, #tpu.memory_space<vmem>>, vector<1x128xf32>
      %add3A_65 = arith.addf %get3A_64, %broadcast_in_dim3A : vector<1x128xf32>
      %swap3A = arith.constant 0 : index
      %swap3A_66 = arith.constant 0 : index
      %swap3A_67 = vector.load %arg12[%swap3A, %swap3A_66] : memref<1x128xf32, #tpu.memory_space<vmem>>, vector<1x128xf32>
      tpu.vector_store %arg12[%swap3A, %swap3A_66], %add3A_65 {strides = array<i32>} : memref<1x128xf32, #tpu.memory_space<vmem>>, vector<1x128xf32>,
      %get3A_68 = arith.constant 0 : index
      %get3A_69 = arith.constant 0 : index
      %get3A_70 = vector.load %arg13[%get3A_68, %get3A_69] : memref<1x128xf32, #tpu.memory_space<vmem>>, vector<1x128xf32>
      %max3A = arith.maximumf %get3A_70, %broadcast_in_dim3A_49 : vector<1x128xf32>
      %swap3A_71 = arith.constant 0 : index
      %swap3A_72 = arith.constant 0 : index
      %swap3A_73 = vector.load %arg13[%swap3A_71, %swap3A_72] : memref<1x128xf32, #tpu.memory_space<vmem>>, vector<1x128xf32>
      tpu.vector_store %arg13[%swap3A_71, %swap3A_72], %max3A {strides = array<i32>} : memref<1x128xf32, #tpu.memory_space<vmem>>, vector<1x128xf32>,
    } else {
    }
    %eq3A_57 = arith.constant 9 : i32
    %eq3A_58 = arith.cmpi eq, %arg0, %eq3A_57 : i32
    %convert_element_type3A_59 = arith.extui %eq3A_58 : i1 to i32
    %cond3A_60 = arith.constant 0 : i32
    %cond3A_61 = arith.cmpi ne, %convert_element_type3A_59, %cond3A_60 : i32
    scf.if %cond3A_61 {
      %get3A_62 = arith.constant 0 : index
      %get3A_63 = arith.constant 0 : index
      %get3A_64 = vector.load %arg12[%get3A_62, %get3A_63] : memref<1x128xf32, #tpu.memory_space<vmem>>, vector<1x128xf32>
      %get3A_65 = arith.constant 0 : index
      %get3A_66 = arith.constant 0 : index
      %get3A_67 = vector.load %arg13[%get3A_65, %get3A_66] : memref<1x128xf32, #tpu.memory_space<vmem>>, vector<1x128xf32>
      %concatenate3A = tpu.concatenate %get3A_64, %get3A_67 in 1 : vector<1x128xf32>, vector<1x128xf32> -> vector<1x256xf32>
      %get3A_68 = arith.constant 0 : index
      %get3A_69 = arith.constant 0 : index
      %get3A_70 = vector.load %arg7[%get3A_68, %get3A_69] : memref<256x128xf32, #tpu.memory_space<vmem>>, vector<256x128xf32>
      %dot_general3A_71 = arith.constant dense<0.000000e+00> : vector<1x128xf32>
      %dot_general3A_72 = tpu.matmul %concatenate3A, %get3A_70, %dot_general3A_71 {dimension_numbers = #tpu.dot_dimension_numbers<[1], [0], [0], [1], [0, 0, 1, 1], [], []>, transpose_lhs_hint = false} : vector<1x256xf32>, vector<256x128xf32>, vector<1x128xf32> -> vector<1x128xf32>
      %get3A_73 = arith.constant 0 : index
      %get3A_74 = arith.constant 0 : index
      %get3A_75 = vector.load %arg8[%get3A_73, %get3A_74] : memref<1x128xf32, #tpu.memory_space<vmem>>, vector<1x128xf32>
      %add3A_76 = arith.addf %dot_general3A_72, %get3A_75 : vector<1x128xf32>
      %max3A = arith.constant 0.000000e+00 : f32
      %max3A_77 = vector.broadcast %max3A : f32 to vector<1x128xf32>
      %max3A_78 = arith.maximumf %add3A_76, %max3A_77 : vector<1x128xf32>
      %sqrt3A = arith.constant 1.000010e+00 : f32
      %sqrt3A_79 = math.sqrt %sqrt3A : f32
      %div3A_80 = arith.constant 1.000000e+00 : f32
      %div3A_81 = arith.divf %div3A_80, %sqrt3A_79 : f32
      %mul3A_82 = vector.broadcast %div3A_81 : f32 to vector<1x128xf32>
      %mul3A_83 = arith.mulf %max3A_78, %mul3A_82 : vector<1x128xf32>
      %get3A_84 = arith.constant 0 : index
      %get3A_85 = arith.constant 0 : index
      %get3A_86 = vector.load %arg9[%get3A_84, %get3A_85] : memref<128x128xf32, #tpu.memory_space<vmem>>, vector<128x128xf32>
      %dot_general3A_87 = arith.constant dense<0.000000e+00> : vector<1x128xf32>
      %dot_general3A_88 = tpu.matmul %mul3A_83, %get3A_86, %dot_general3A_87 {dimension_numbers = #tpu.dot_dimension_numbers<[1], [0], [0], [1], [0, 0, 1, 1], [], []>, transpose_lhs_hint = false} : vector<1x128xf32>, vector<128x128xf32>, vector<1x128xf32> -> vector<1x128xf32>
      %get3A_89 = arith.constant 0 : index
      %get3A_90 = arith.constant 0 : index
      %get3A_91 = vector.load %arg10[%get3A_89, %get3A_90] : memref<1x128xf32, #tpu.memory_space<vmem>>, vector<1x128xf32>
      %add3A_92 = arith.addf %dot_general3A_88, %get3A_91 : vector<1x128xf32>
      %swap3A = arith.constant 0 : index
      %swap3A_93 = arith.constant 0 : index
      %swap3A_94 = vector.load %arg11[%swap3A, %swap3A_93] : memref<1x128xf32, #tpu.memory_space<vmem>>, vector<1x128xf32>
      tpu.vector_store %arg11[%swap3A, %swap3A_93], %add3A_92 {strides = array<i32>} : memref<1x128xf32, #tpu.memory_space<vmem>>, vector<1x128xf32>,
    } else {
    }
    return
  }
  func.func @transform_0(%arg0: i32) -> (i32, i32, i32) {
    %c0_i32 = arith.constant 0 : i32
    %c0_i32_0 = arith.constant 0 : i32
    %c0_i32_1 = arith.constant 0 : i32
    return %c0_i32, %arg0, %c0_i32_0 : i32, i32, i32
  }
  func.func @transform_1(%arg0: i32) -> (i32, i32) {
    %c0_i32 = arith.constant 0 : i32
    %c0_i32_0 = arith.constant 0 : i32
    return %arg0, %c0_i32 : i32, i32
  }
  func.func @transform_2(%arg0: i32) -> (i32, i32) {
    %c0_i32 = arith.constant 0 : i32
    %c0_i32_0 = arith.constant 0 : i32
    %c0_i32_1 = arith.constant 0 : i32
    return %c0_i32, %c0_i32_0 : i32, i32
  }
  func.func @transform_3(%arg0: i32) -> (i32, i32) {
    %c0_i32 = arith.constant 0 : i32
    %c0_i32_0 = arith.constant 0 : i32
    %c0_i32_1 = arith.constant 0 : i32
    return %c0_i32, %c0_i32_0 : i32, i32
  }
  func.func @transform_4(%arg0: i32) -> (i32, i32) {
    %c0_i32 = arith.constant 0 : i32
    %c0_i32_0 = arith.constant 0 : i32
    %c0_i32_1 = arith.constant 0 : i32
    return %c0_i32, %c0_i32_0 : i32, i32
  }
  func.func @transform_5(%arg0: i32) -> (i32, i32) {
    %c0_i32 = arith.constant 0 : i32
    %c0_i32_0 = arith.constant 0 : i32
    %c0_i32_1 = arith.constant 0 : i32
    return %c0_i32, %c0_i32_0 : i32, i32
  }
  func.func @transform_6(%arg0: i32) -> (i32, i32) {
    %c0_i32 = arith.constant 0 : i32
    %c0_i32_0 = arith.constant 0 : i32
    %c0_i32_1 = arith.constant 0 : i32
    return %c0_i32, %c0_i32_0 : i32, i32
  }
  func.func @transform_7(%arg0: i32) -> (i32, i32) {
    %c0_i32 = arith.constant 0 : i32
    %c0_i32_0 = arith.constant 0 : i32
    %c0_i32_1 = arith.constant 0 : i32
    return %c0_i32, %c0_i32_0 : i32, i32
  }
  func.func @transform_8(%arg0: i32) -> (i32, i32) {
    %c0_i32 = arith.constant 0 : i32
    %c0_i32_0 = arith.constant 0 : i32
    %c0_i32_1 = arith.constant 0 : i32
    return %c0_i32, %c0_i32_0 : i32, i32
  }
  func.func @transform_9(%arg0: i32) -> (i32, i32) {
    %c0_i32 = arith.constant 0 : i32
    %c0_i32_0 = arith.constant 0 : i32
    %c0_i32_1 = arith.constant 0 : i32
    return %c0_i32, %c0_i32_0 : i32, i32
  }
  func.func @transform_10(%arg0: i32) -> (i32, i32) {
    %c0_i32 = arith.constant 0 : i32
    %c0_i32_0 = arith.constant 0 : i32
    %c0_i32_1 = arith.constant 0 : i32
    return %c0_i32, %c0_i32_0 : i32, i32
  }
}

</mosaic_0001>

<sc_bundles>
// kernel: kernel.10.cloned.1.call-start
scs
__scs_entry_jumppad:
0x0: {  	(pc) =	sbr.rel $0x88, $3  }
0x1: {  	(tag) =	ssettag $0x0;
	lr =	simm.s32 $0x1  }
0x2: {  	[smem:$0x3F91] =	sst lr;
	_ =	strace $0xD0000000  }
0x3: {  	_ = 	snop  }
0x4: {  	_ = 	snop  }
0x5: {  	_ = 	snop  }
0x6: {  	_ = 	snop  }
0x7: {  	_ = 	snop  }
__scs_overlays_trampoline_lowered:
0x8: {  	[smem:$0x3FA0] =	sst s0  }
0x9: {  	[smem:$0x3FA1] =	sst s1  }
0xa: {  	[smem:$0x3FA2] =	sst s2  }
0xb: {  	[smem:$0x3FA3] =	sst s3  }
0xc: {  	[smem:$0x3FA4] =	sst s4  }
0xd: {  	[smem:$0x3FA5] =	sst s5  }
0xe: {  	[smem:$0x3FA6] =	sst s6  }
0xf: {  	[smem:$0x3FA7] =	sst s7  }
0x10: {  	[smem:$0x3FA8] =	sst s8  }
0x11: {  	[smem:$0x3FA9] =	sst s9;
	s0 =	simm.s32 @!p0 $0x0  }
0x12: {  	s1 =	sld [smem:$0x3F8F];
	s0 =	simm.s32 @p0 $0x1  }
0x13: {  	[smem:$0x3FAA] =	sst s0;
	s0 =	simm.s32 @!p1 $0x0  }
0x14: {  	s2 =	sld [smem:$0x3F8E];
	s0 =	simm.s32 @p1 $0x1  }
0x15: {  	[smem:$0x3FAB] =	sst s0;
	s0 =	simm.s32 @!p2 $0x0  }
0x16: {  	s3 =	sld [smem:$0x3FDB];
	s0 =	simm.s32 @p2 $0x1  }
0x17: {  	s4 =	simm.s32 $0x1BF5;
	[smem:$0x3FAD] =	sst s0  }
0x18: {  	s0 =	sld [smem:$0x3F90];
	_ =	swait.ge [sflag:s4], $0x0  }
0x19: {  	s7 =	sld [smem:$0x3F91]  }
0x1a: {  	s8 =	sadd.s32 $0xFFFFE003, lr  }
0x1b: {  	s9 =	sadd.s32 $0xFFFFFEF7, lr;
	s5 =	simm.s32 $0xFFFFFFFF;
	p2 =	slt.u32 s8, $0xFFFFF086  }
0x1c: {  	p1 =	slt.u32 s9, $0xF7A;
	s5 =	simm.s32 @!p2 $0x0  }
0x1d: {  	s5 =	simm.s32 @p1 $0x1;
	p0 =	seq.s32 s7, s2  }
0x1e: {  	s7 =	smul.u32 @!p0 $0xF7A, s2;
	p2 =	seq.s32 @!p0 s5, $0x0  }
0x1f: {  	s9 =	smul.u32 $0xF7A, s1;
	s8 =	simm.s32 @!p0 $0x1BF5;
	p2 =	por !p2, p0  }
0x20: {  	[sflag:s8] =	ssyncset.s32 @!p0 $0xFFFFF086;
	s6 =	sadd.s32 @!p0 s3, s7;
	s7 =	simm.s32 @!p0 $0x108  }
0x21: {  	s3 =	sadd.s32 s3, s9;
	s6 =	sadd.s32 @!p0 $0x88, s6;
	s7 =	simm.s32 @p2 $0x1082  }
0x22: {  	[simem:s7], [sflag:s8] =	dma.local @!p0 [hbm:s6], $0xF7A  }
0x23: {  	s9 =	sor.u32 $0xD0000000, s2;
	s6 =	simm.s32 $0x108;
	_ =	swait.ge @!p0 [sflag:s8], $0x0  }
0x24: {  	s3 =	sadd.s32 $0x88, s3;
	s6 =	simm.s32 @!p1 $0x1082;
	[sflag:s4] =	ssyncset.s32 $0xFFFFF086  }
0x25: {  	[simem:s6], [sflag:s4] =	dma.local [hbm:s3], $0xF7A  }
0x26: {  	[smem:$0x3F91] =	sst s1;
	(tag) =	ssettag s2;
	_ =	strace s9  }
0x27: {  	s1 =	sld [smem:$0x3FA1]  }
0x28: {  	s2 =	sld [smem:$0x3FA2]  }
0x29: {  	s4 =	sld [smem:$0x3FA4]  }
0x2a: {  	p0 =	seq.s32 s5, $0x0;
	s5 =	sld [smem:$0x3FA5]  }
0x2b: {  	s6 =	sld [smem:$0x3FA6]  }
0x2c: {  	s7 =	sld [smem:$0x3FA7]  }
0x2d: {  	s3 =	simm.s32 $0x108;
	s8 =	sld [smem:$0x3FA8]  }
0x2e: {  	s3 =	simm.s32 @!p0 $0x1082;
	s9 =	sld [smem:$0x3FA9]  }
0x2f: {  	lr =	sadd.s32 s0, s3;
	s0 =	sld [smem:$0x3FA0]  }
0x30: {  	s3 =	sld [smem:$0x3FA3]  }
0x31: {  	[smem:$0x3FAC] =	sst s10  }
0x32: {  	s10 =	sld [smem:$0x3FAA];
	_ =	sdelay $0x3  }
0x33: {  	p0 =	seq.s32 s10, $0x1;
	s10 =	sld [smem:$0x3FAC];
	_ =	sdelay $0x3  }
0x34: {  	[smem:$0x3FAC] =	sst s10  }
0x35: {  	s10 =	sld [smem:$0x3FAB];
	_ =	sdelay $0x3  }
0x36: {  	p1 =	seq.s32 s10, $0x1;
	s10 =	sld [smem:$0x3FAC];
	_ =	sdelay $0x3  }
0x37: {  	[smem:$0x3FAC] =	sst s10  }
0x38: {  	s10 =	sld [smem:$0x3FAD]  }
0x39: {  	_ = 	snop;
	(pc) =	sbr.ind lr, $3  }
0x3a: {  	_ = 	snop  }
0x3b: {  	_ = 	snop  }
0x3c: {  	p2 =	seq.s32 s10, $0x1;
	s10 =	sld [smem:$0x3FAC]  }
0x3d: {  	_ =	shalt  }
0x3e: {  	_ =	shalt  }
0x3f: {  	_ =	shalt  }
0x40: {  	_ =	shalt  }
0x41: {  	_ =	shalt  }
0x42: {  	_ =	shalt  }
0x43: {  	_ =	shalt  }
0x44: {  	_ =	shalt  }
0x45: {  	_ =	shalt  }
0x46: {  	_ =	shalt  }
0x47: {  	_ =	shalt  }
0x48: {  	_ =	shalt  }
0x49: {  	_ =	shalt  }
0x4a: {  	_ =	shalt  }
0x4b: {  	_ =	shalt  }
0x4c: {  	_ =	shalt  }
0x4d: {  	_ =	shalt  }
0x4e: {  	_ =	shalt  }
0x4f: {  	_ =	shalt  }
0x50: {  	_ =	shalt  }
0x51: {  	_ =	shalt  }
0x52: {  	_ =	shalt  }
0x53: {  	_ =	shalt  }
0x54: {  	_ =	shalt  }
0x55: {  	_ =	shalt  }
0x56: {  	_ =	shalt  }
0x57: {  	_ =	shalt  }
0x58: {  	_ =	shalt  }
0x59: {  	_ =	shalt  }
0x5a: {  	_ =	shalt  }
0x5b: {  	_ =	shalt  }
0x5c: {  	_ =	shalt  }
0x5d: {  	_ =	shalt  }
0x5e: {  	_ =	shalt  }
0x5f: {  	_ =	shalt  }
0x60: {  	_ =	shalt  }
0x61: {  	_ =	shalt  }
0x62: {  	_ =	shalt  }
0x63: {  	_ =	shalt  }
0x64: {  	_ =	shalt  }
0x65: {  	_ =	shalt  }
0x66: {  	_ =	shalt  }
0x67: {  	_ =	shalt  }
0x68: {  	_ =	shalt  }
0x69: {  	_ =	shalt  }
0x6a: {  	_ =	shalt  }
0x6b: {  	_ =	shalt  }
0x6c: {  	_ =	shalt  }
0x6d: {  	_ =	shalt  }
0x6e: {  	_ =	shalt  }
0x6f: {  	_ =	shalt  }
0x70: {  	_ =	shalt  }
0x71: {  	_ =	shalt  }
0x72: {  	_ =	shalt  }
0x73: {  	_ =	shalt  }
0x74: {  	_ =	shalt  }
0x75: {  	_ =	shalt  }
0x76: {  	_ =	shalt  }
0x77: {  	_ =	shalt  }
0x78: {  	_ =	shalt  }
0x79: {  	_ =	shalt  }
0x7a: {  	_ =	shalt  }
0x7b: {  	_ =	shalt  }
0x7c: {  	_ =	shalt  }
0x7d: {  	_ =	shalt  }
0x7e: {  	_ =	shalt  }
0x7f: {  	_ =	shalt  }
0x80: {  	_ =	shalt  }
0x81: {  	_ =	shalt  }
0x82: {  	_ =	shalt  }
0x83: {  	_ =	shalt  }
0x84: {  	_ =	shalt  }
0x85: {  	_ =	shalt  }
0x86: {  	_ =	shalt  }
0x87: {  	_ =	shalt  }
.Lfunc_end0:
.L_simem_size_0:
called_computation.1_lowered:
.L_overlay_start_0:
0x88: {  	s2 =	sld [smem:$0x3FD9]  }
0x89: {  	s3 =	sld [smem:$0x3FFE];
	_ =	sdelay $0x1  }
0x8a: {  	s1 =	srdreg.scid  }
0x8b: {  	s0 =	sand.u32 $0x1, s1  }
0x8c: {  	s16 =	sshll.u32 s0, $0xA;
	s2 =	sadd.s32 s3, s2  }
0x8d: {  	s2 =	sadd.s32 s2, s16  }
0x8e: {  	[smem:$0x3FB8] =	sst s2  }
0x8f: {  	_ = 	snop  }
0x90: {  	(tm) =	ssettm $0x1  }
0x91: {  	s17 =	sld [smem:$0x3FFB];
	_ =	sdelay $0x3  }
0x92: {  	_ =	strace s17  }
0x93: {  	s2 =	sld [smem:$0x3FFC];
	_ =	sdelay $0x3  }
0x94: {  	_ =	strace s2  }
0x95: {  	s2 =	sld [smem:$0x3FFD];
	_ =	sdelay $0x3  }
0x96: {  	_ =	strace s2  }
0x97: {  	_ =	strace $0x8FFFFFFF  }
0x98: {  	s18 =	sld [smem:$0x3FDB];
	_ =	sdelay $0x1  }
0x99: {  	s19 =	simm.s32 $_scs_section_size  }
0x9a: {  	s4 =	simm.s32 $_size__tile_overlayer_lowered;
	s5 =	simm.s32 $_tile_overlayer_lowered  }
0x9b: {  	s22 =	simm.s32 $0x1BFF;
	s21 =	sshll.u32 s5, $0x1;
	s2 =	sadd.s32 s19, s18  }
0x9c: {  	s6 =	simm.s32 $0x0;
	s20 =	sshll.u32 s4, $0x1;
	s4 =	sadd.s32 s21, s2  }
0x9d: {  	[timem:s6], [sflag:s22] =	dma.local [hbm:s4], s20  }
0x9e: {  	_ =	swait.ge [sflag:s22], s20  }
0x9f: {  	s3 =	ssub.s32 $0x0, s20;
	[sflag:s22] =	ssyncset.done $0x0  }
0xa0: {  	[sflag:s22] =	ssyncadd.s32 s3;
	_ =	sdelay $0x1  }
0xa1: {  	s23 =	simm.s32 $0x1B8B  }
0xa2: {  	_ =	swait.ge [sflag:s23], $0x1  }
0xa3: {  	[sflag:s23] =	ssyncset.done $0x0  }
0xa4: {  	s25 =	simm.s32 $0x1B8E;
	s24 =	sld [smem:$0x3FFE];
	[sflag:s23] =	ssyncadd.s32 $0xFFFFFFFF  }
0xa5: {  	s26 =	simm.s32 $execute0_lowered;
	[smem:$0x3FD2] =	sst s25  }
0xa6: {  	s4 =	sshll.u32 s26, $0x1;
	_ =	strace $0x80000049;
	[dreg:$0x1] =	wrdreg $0xFFFFFFFF  }
0xa7: {  	s28 =	simm.s32 $_size_execute0_lowered;
	s2 =	sadd.s32 s2, s4;
	[dreg:$0x0] =	wrdreg $0x0  }
0xa8: {  	s4 =	sshll.u32 s28, $0x1;
	[dreg:$0x2] =	wrdreg s2  }
0xa9: {  	[dreg:$0x3] =	wrdreg s4  }
0xaa: {  	[dreg:$0x4] =	wrdreg $0xC0  }
0xab: {  	_ =	task [dreg:s6], $0x5FFFF  }
0xac: {  	[dreg:$0x1] =	wrdreg $0xFFFFFFFF  }
0xad: {  	[dreg:$0x0] =	wrdreg $0x60  }
0xae: {  	[dreg:$0x2] =	wrdreg s24  }
0xaf: {  	[dreg:$0x3] =	wrdreg $0xA8000  }
0xb0: {  	[dreg:$0x4] =	wrdreg $0x9  }
0xb1: {  	_ =	task.clear_ibuf [dreg:s6], $0x5FFFF;
	_ =	strace $0x90000049  }
0xb2: {  	s29 =	simm.s32 $0x9;
	_ =	strace $0x8000004B  }
0xb3: {  	_ =	swait.ge [sflag:s29], $0x1  }
0xb4: {  	[sflag:s29] =	ssyncadd.s32 $0xFFFFFFFF  }
0xb5: {  	_ =	strace $0x9000004B  }
0xb6: {  	_ =	sfence  }
0xb7: {  	s30 =	sld [smem:$0x0];
	_ =	sdelay $0x2  }
0xb8: {  	s31 =	sshll.u32 s1, $0xD;
	s1 =	sshrl.u32 s1, $0x2  }
0xb9: {  	s3 =	sand.u32 $0x4000, s31;
	s1 =	sadd.s32 s1, s30  }
0xba: {  	s0 =	sor.u32 s3, s0;
	s1 =	sshll.u32 s1, $0x11  }
0xbb: {  	s0 =	sor.u32 s1, s0  }
0xbc: {  	s0 =	sadd.s32 $0x8F2B, s0  }
0xbd: {  	[sflag:s0] =	ssyncadd.remote.s32 $0x1  }
0xbe: {  	_ =	sfence.sel $0xFFFF  }
0xbf: {  	[dreg:$0x0] =	wrdreg $0xFFFFFFFF;
	(pc) =	sbr.abs _section_cstart, $3  }
0xc0: {  	[dreg:$0x1] =	wrdreg $0xFFFFFFFF  }
0xc1: {  	_ =	task.clear_ibuf [dreg:s6], $0x2FFFF;
	_ =	strace $0x9FFFFFFF  }
0xc2: {  	(tm) =	ssettm $0x7FFFFFFF  }
0xc3: {  	_ =	shalt  }
tec
execute0_lowered:
.L_overlay_start_1:
0x0: {  	(tag) =	ssettag $0x1  }
0x1: {  	s5 =	rddreg [dreg:$0x0]  }
0x2: {  	s2 =	rddreg [dreg:$0x1]  }
0x3: {  	s0 =	rddreg [dreg:$0x2];
	s3 =	simm.s32 $0x0;
	s1 =	stileid.u32  }
0x4: {  	s4 =	srdreg.scid;
	s16 =	simm.s32 $0x7D;
	s17 =	simm.s32 $0x2800  }
0x5: {  	s18 =	simm.s32 $0x1;
	s19 =	simm.s32 $0x6800;
	s20 =	simm.s32 $0x3  }
0x6: {  	s21 =	simm.s32 $0x2;
	s22 =	simm.s32 $0x4;
	s23 =	simm.s32 $0x1380  }
0x7: {  	s24 =	simm.s32 $0x2700;
	s25 =	simm.s32 $0x2780;
	[smem:$0x7FF] =	sst s3  }
0x8: {  	s6 =	smul.u32 $0x14000, s1;
	s7 =	sand.u32 $0x1, s4;
	s4 =	sadd.s32 $0x3EA00, s5  }
0x9: {  	s9 =	sadd.s32 $0x2A00, s5;
	s11 =	sadd.s32 $0xCA00, s5;
	s26 =	smul.u32 $0x50000, s1  }
0xa: {  	s30 =	sshll.u32 s1, $0x6;
	_ =	strace $0x8000004A;
	s8 =	smul.u32 $0x140000, s7  }
0xb: {  	s12 =	sshll.u32 s7, $0x4;
	s28 =	ssub.s32 $0x2, s7;
	s10 =	sshrl.u32 s6, $0x3  }
0xc: {  	s29 =	sor.u32 s1, s12;
	s7 =	sshrl.u32 s28, $0x1;
	s10 =	sadd.s32 s10, s5  }
0xd: {  	s6 =	sadd.s32 s6, s8;
	s8 =	sshrl.u32 s26, $0x2;
	s12 =	smul.u32 $0x2800, s29  }
0xe: {  	s14 =	ssub.s32 s28, s7;
	s26 =	simm.s32 $0x0;
	s6 =	sshrl.u32 s6, $0x3  }
0xf: {  	s15 =	sadd.s32 s8, s2;
	s13 =	sadd.s32 s6, s5;
	s5 =	sadd.s32 $0x16A00, s10  }
0x10: {  	s6 =	sor.u32 $0x1C05, s30;
	s31 =	sshrl.u32 s12, $0x3;
	s12 =	smax.u32 s14, $0x1  }
0x11: {  	s14 =	simm.s32 $0x5;
	s7 =	sadd.s32 s9, s31;
	s10 =	sadd.s32 $0x280, s31  }
0x12: {  	s8 =	sadd.s32 s11, s31;
	s9 =	sadd.s32 s9, s10;
	s10 =	sadd.s32 s11, s10  }
0x13: {  	s11 =	sadd.s32 $0x65C00, s13;
	s13 =	sshrl.u32 s15, $0x3;
	s15 =	simm.s32 $0x1400  }
.LBB2_1:
0x14: {  	[spmem:s13], [sflag:s6] =	dma.local [hbm:s5], $0x2800  }
0x15: {  	_ =	swait.ge [sflag:s14], $0x2800  }
0x16: {  	[sflag:s14] =	ssyncset.done $0x0  }
0x17: {  	[sflag:s14] =	ssyncadd.s32 $0xFFFFD800  }
0x18: {  	[bflag:$0x0] =	sbarrier.arrive $0xFFFF  }
0x19: {  	[tilespmem:s3], [sflag:$0x5] =	stream.linear.gather [hbm4b:s7+s3], $0x1400, $0x38;
	[tilespmem:$0x1E800] =	vst v63  }
0x1a: {  	_ =	swait.ge [sflag:s14], $0x1400  }
0x1b: {  	[sflag:s14] =	ssyncset.done $0x0  }
0x1c: {  	[sflag:s14] =	ssyncadd.s32 $0xFFFFEC00  }
0x1d: {  	[tilespmem:s15], [sflag:$0x5] =	stream.linear.gather [hbm4b:s8+s3], $0x1400, $0x38;
	[tilespmem:$0x1E800] =	vst v63  }
0x1e: {  	_ =	swait.ge [sflag:s14], $0x1400  }
0x1f: {  	[sflag:s14] =	ssyncset.done $0x0  }
0x20: {  	[sflag:s14] =	ssyncadd.s32 $0xFFFFEC00  }
0x21: {  	[tilespmem:s17], [sflag:$0x1] =	stream.indirect.gather [hbm4b:s4+s16], $0x80, s3, s16, $0xb8;
	[tilespmem:$0x1E800] =	vst v63  }
0x22: {  	_ =	swait.ge [sflag:s18], $0x3E80  }
0x23: {  	[sflag:s18] =	ssyncset.done $0x0  }
0x24: {  	s28 =	simm.s32 $0x80;
	[sflag:s18] =	ssyncadd.s32 $0xFFFFC180  }
0x25: {  	[tilespmem:s19], [sflag:$0x2] =	stream.indirect.gather [hbm4b:s4+s16], $0x80, s28, s16, $0xb8;
	[tilespmem:$0x1E800] =	vst v63  }
0x26: {  	s28 =	simm.s32 $0x1400  }
0x27: {  	[spmem:s2] =	stream.indirect.scatter.add.f32 [tilespmem:s17], [sflag:$0x3], $0x80, s28, s16, $0xb8;
	[tilespmem:$0x1E800] =	vst v63  }
0x28: {  	_ =	swait.ge [sflag:s20], $0x3E80  }
0x29: {  	[sflag:s20] =	ssyncset.done $0x0  }
0x2a: {  	[sflag:s20] =	ssyncadd.s32 $0xFFFFC180  }
0x2b: {  	_ =	swait.ge [sflag:s21], $0x3E80  }
0x2c: {  	[sflag:s21] =	ssyncset.done $0x0  }
0x2d: {  	s28 =	simm.s32 $0x100;
	[sflag:s21] =	ssyncadd.s32 $0xFFFFC180  }
0x2e: {  	[tilespmem:s17], [sflag:$0x1] =	stream.indirect.gather [hbm4b:s4+s16], $0x80, s28, s16, $0xb8;
	[tilespmem:$0x1E800] =	vst v63  }
0x2f: {  	s28 =	simm.s32 $0x1480  }
0x30: {  	[spmem:s2] =	stream.indirect.scatter.add.f32 [tilespmem:s19], [sflag:$0x4], $0x80, s28, s16, $0xb8;
	[tilespmem:$0x1E800] =	vst v63  }
0x31: {  	_ =	swait.ge [sflag:s22], $0x3E80  }
0x32: {  	s28 =	simm.s32 $0x400;
	[sflag:s22] =	ssyncset.done $0x0  }
.LBB2_2:
0x33: {  	p0 =	sne.s32 s28, $0x4800  }
0x34: {  	[sflag:s22] =	ssyncadd.s32 $0xFFFFC180;
	s29 =	smov.u32 s28;
	s28 =	sadd.s32 $0x400, s28  }
0x35: {  	_ = 	snop  }
0x36: {  	_ =	swait.ge [sflag:s18], $0x3E80  }
0x37: {  	s29 =	sshra.s32 s29, $0x2;
	[sflag:s18] =	ssyncset.done $0x0  }
0x38: {  	s30 =	sadd.s32 $0x80, s29;
	[sflag:s18] =	ssyncadd.s32 $0xFFFFC180  }
0x39: {  	[tilespmem:s19], [sflag:$0x2] =	stream.indirect.gather [hbm4b:s4+s16], $0x80, s30, s16, $0xb8;
	[tilespmem:$0x1E800] =	vst v63  }
0x3a: {  	s30 =	sadd.s32 $0x1400, s29  }
0x3b: {  	[spmem:s2] =	stream.indirect.scatter.add.f32 [tilespmem:s17], [sflag:$0x3], $0x80, s30, s16, $0xb8;
	[tilespmem:$0x1E800] =	vst v63  }
0x3c: {  	_ =	swait.ge [sflag:s20], $0x3E80  }
0x3d: {  	[sflag:s20] =	ssyncset.done $0x0  }
0x3e: {  	[sflag:s20] =	ssyncadd.s32 $0xFFFFC180  }
0x3f: {  	_ =	swait.ge [sflag:s21], $0x3E80  }
0x40: {  	[sflag:s21] =	ssyncset.done $0x0  }
0x41: {  	s30 =	sadd.s32 $0x100, s29;
	[sflag:s21] =	ssyncadd.s32 $0xFFFFC180  }
0x42: {  	[tilespmem:s17], [sflag:$0x1] =	stream.indirect.gather [hbm4b:s4+s16], $0x80, s30, s16, $0xb8;
	[tilespmem:$0x1E800] =	vst v63  }
.Ltmp0:
0x43: {  	_ = 	snop;
	(pc) =	sbr.rel @p0 .LBB2_2-.Ltmp0, $4  }
0x44: {  	s29 =	sadd.s32 $0x1480, s29  }
0x45: {  	[spmem:s2] =	stream.indirect.scatter.add.f32 [tilespmem:s19], [sflag:$0x4], $0x80, s29, s16, $0xb8;
	[tilespmem:$0x1E800] =	vst v63  }
0x46: {  	_ =	swait.ge [sflag:s22], $0x3E80  }
0x47: {  	[sflag:s22] =	ssyncset.done $0x0  }
0x48: {  	[sflag:s22] =	ssyncadd.s32 $0xFFFFC180  }
0x49: {  	_ =	swait.ge [sflag:s18], $0x3E80  }
0x4a: {  	[sflag:s18] =	ssyncset.done $0x0  }
0x4b: {  	[sflag:s18] =	ssyncadd.s32 $0xFFFFC180  }
0x4c: {  	[tilespmem:s19], [sflag:$0x2] =	stream.indirect.gather [hbm4b:s4+s16], $0x80, s23, s16, $0xb8;
	[tilespmem:$0x1E800] =	vst v63  }
0x4d: {  	_ = 	snop  }
0x4e: {  	[spmem:s2] =	stream.indirect.scatter.add.f32 [tilespmem:s17], [sflag:$0x3], $0x80, s24, s16, $0xb8;
	[tilespmem:$0x1E800] =	vst v63  }
0x4f: {  	_ =	swait.ge [sflag:s20], $0x3E80  }
0x50: {  	[sflag:s20] =	ssyncset.done $0x0  }
0x51: {  	[sflag:s20] =	ssyncadd.s32 $0xFFFFC180  }
0x52: {  	_ =	swait.ge [sflag:s21], $0x3E80  }
0x53: {  	[sflag:s21] =	ssyncset.done $0x0  }
0x54: {  	[sflag:s21] =	ssyncadd.s32 $0xFFFFC180  }
0x55: {  	[spmem:s2] =	stream.indirect.scatter.add.f32 [tilespmem:s19], [sflag:$0x4], $0x80, s25, s16, $0xb8;
	[tilespmem:$0x1E800] =	vst v63  }
0x56: {  	_ =	swait.ge [sflag:s22], $0x3E80  }
0x57: {  	[sflag:s22] =	ssyncset.done $0x0  }
0x58: {  	s28 =	simm.s32 $0x0;
	[sflag:s22] =	ssyncadd.s32 $0xFFFFC180  }
0x59: {  	[tilespmem:s28], [sflag:$0x5] =	stream.linear.gather [hbm4b:s9+s28], $0x1400, $0x38;
	[tilespmem:$0x1E800] =	vst v63  }
0x5a: {  	_ =	swait.ge [sflag:s14], $0x1400  }
0x5b: {  	[sflag:s14] =	ssyncset.done $0x0  }
0x5c: {  	[sflag:s14] =	ssyncadd.s32 $0xFFFFEC00  }
0x5d: {  	[tilespmem:s15], [sflag:$0x5] =	stream.linear.gather [hbm4b:s10+s28], $0x1400, $0x38;
	[tilespmem:$0x1E800] =	vst v63  }
0x5e: {  	_ =	swait.ge [sflag:s14], $0x1400  }
0x5f: {  	[sflag:s14] =	ssyncset.done $0x0  }
0x60: {  	[sflag:s14] =	ssyncadd.s32 $0xFFFFEC00  }
0x61: {  	[tilespmem:s17], [sflag:$0x1] =	stream.indirect.gather [hbm4b:s4+s16], $0x80, s28, s16, $0xb8;
	[tilespmem:$0x1E800] =	vst v63  }
0x62: {  	_ =	swait.ge [sflag:s18], $0x3E80  }
0x63: {  	[sflag:s18] =	ssyncset.done $0x0  }
0x64: {  	s28 =	simm.s32 $0x80;
	[sflag:s18] =	ssyncadd.s32 $0xFFFFC180  }
0x65: {  	[tilespmem:s19], [sflag:$0x2] =	stream.indirect.gather [hbm4b:s4+s16], $0x80, s28, s16, $0xb8;
	[tilespmem:$0x1E800] =	vst v63  }
0x66: {  	s28 =	simm.s32 $0x1400  }
0x67: {  	[spmem:s2] =	stream.indirect.scatter.add.f32 [tilespmem:s17], [sflag:$0x3], $0x80, s28, s16, $0xb8;
	[tilespmem:$0x1E800] =	vst v63  }
0x68: {  	_ =	swait.ge [sflag:s20], $0x3E80  }
0x69: {  	[sflag:s20] =	ssyncset.done $0x0  }
0x6a: {  	[sflag:s20] =	ssyncadd.s32 $0xFFFFC180  }
0x6b: {  	_ =	swait.ge [sflag:s21], $0x3E80  }
0x6c: {  	[sflag:s21] =	ssyncset.done $0x0  }
0x6d: {  	s28 =	simm.s32 $0x100;
	[sflag:s21] =	ssyncadd.s32 $0xFFFFC180  }
0x6e: {  	[tilespmem:s17], [sflag:$0x1] =	stream.indirect.gather [hbm4b:s4+s16], $0x80, s28, s16, $0xb8;
	[tilespmem:$0x1E800] =	vst v63  }
0x6f: {  	s28 =	simm.s32 $0x1480  }
0x70: {  	[spmem:s2] =	stream.indirect.scatter.add.f32 [tilespmem:s19], [sflag:$0x4], $0x80, s28, s16, $0xb8;
	[tilespmem:$0x1E800] =	vst v63  }
0x71: {  	_ =	swait.ge [sflag:s22], $0x3E80  }
0x72: {  	s28 =	simm.s32 $0x400;
	[sflag:s22] =	ssyncset.done $0x0  }
.LBB2_4:
0x73: {  	p0 =	sne.s32 s28, $0x4800  }
0x74: {  	[sflag:s22] =	ssyncadd.s32 $0xFFFFC180;
	s29 =	smov.u32 s28;
	s28 =	sadd.s32 $0x400, s28  }
0x75: {  	_ = 	snop  }
0x76: {  	_ =	swait.ge [sflag:s18], $0x3E80  }
0x77: {  	s29 =	sshra.s32 s29, $0x2;
	[sflag:s18] =	ssyncset.done $0x0  }
0x78: {  	s30 =	sadd.s32 $0x80, s29;
	[sflag:s18] =	ssyncadd.s32 $0xFFFFC180  }
0x79: {  	[tilespmem:s19], [sflag:$0x2] =	stream.indirect.gather [hbm4b:s4+s16], $0x80, s30, s16, $0xb8;
	[tilespmem:$0x1E800] =	vst v63  }
0x7a: {  	s30 =	sadd.s32 $0x1400, s29  }
0x7b: {  	[spmem:s2] =	stream.indirect.scatter.add.f32 [tilespmem:s17], [sflag:$0x3], $0x80, s30, s16, $0xb8;
	[tilespmem:$0x1E800] =	vst v63  }
0x7c: {  	_ =	swait.ge [sflag:s20], $0x3E80  }
0x7d: {  	[sflag:s20] =	ssyncset.done $0x0  }
0x7e: {  	[sflag:s20] =	ssyncadd.s32 $0xFFFFC180  }
0x7f: {  	_ =	swait.ge [sflag:s21], $0x3E80  }
0x80: {  	[sflag:s21] =	ssyncset.done $0x0  }
0x81: {  	s30 =	sadd.s32 $0x100, s29;
	[sflag:s21] =	ssyncadd.s32 $0xFFFFC180  }
0x82: {  	[tilespmem:s17], [sflag:$0x1] =	stream.indirect.gather [hbm4b:s4+s16], $0x80, s30, s16, $0xb8;
	[tilespmem:$0x1E800] =	vst v63  }
.Ltmp1:
0x83: {  	_ = 	snop;
	(pc) =	sbr.rel @p0 .LBB2_4-.Ltmp1, $4  }
0x84: {  	s29 =	sadd.s32 $0x1480, s29  }
0x85: {  	[spmem:s2] =	stream.indirect.scatter.add.f32 [tilespmem:s19], [sflag:$0x4], $0x80, s29, s16, $0xb8;
	[tilespmem:$0x1E800] =	vst v63  }
0x86: {  	_ =	swait.ge [sflag:s22], $0x3E80  }
0x87: {  	[sflag:s22] =	ssyncset.done $0x0  }
0x88: {  	[sflag:s22] =	ssyncadd.s32 $0xFFFFC180  }
0x89: {  	_ =	swait.ge [sflag:s18], $0x3E80  }
0x8a: {  	[sflag:s18] =	ssyncset.done $0x0  }
0x8b: {  	[sflag:s18] =	ssyncadd.s32 $0xFFFFC180  }
0x8c: {  	[tilespmem:s19], [sflag:$0x2] =	stream.indirect.gather [hbm4b:s4+s16], $0x80, s23, s16, $0xb8;
	[tilespmem:$0x1E800] =	vst v63  }
0x8d: {  	_ = 	snop  }
0x8e: {  	[spmem:s2] =	stream.indirect.scatter.add.f32 [tilespmem:s17], [sflag:$0x3], $0x80, s24, s16, $0xb8;
	[tilespmem:$0x1E800] =	vst v63  }
0x8f: {  	_ =	swait.ge [sflag:s20], $0x3E80  }
0x90: {  	[sflag:s20] =	ssyncset.done $0x0  }
0x91: {  	[sflag:s20] =	ssyncadd.s32 $0xFFFFC180  }
0x92: {  	_ =	swait.ge [sflag:s21], $0x3E80  }
0x93: {  	[sflag:s21] =	ssyncset.done $0x0  }
0x94: {  	[sflag:s21] =	ssyncadd.s32 $0xFFFFC180  }
0x95: {  	[spmem:s2] =	stream.indirect.scatter.add.f32 [tilespmem:s19], [sflag:$0x4], $0x80, s25, s16, $0xb8;
	[tilespmem:$0x1E800] =	vst v63  }
0x96: {  	_ =	swait.ge [sflag:s22], $0x3E80  }
0x97: {  	s26 =	sadd.s32 $0x1, s26;
	[sflag:s22] =	ssyncset.done $0x0  }
0x98: {  	p0 =	sne.s32 s26, s12;
	[sflag:s22] =	ssyncadd.s32 $0xFFFFC180  }
.Ltmp2:
0x99: {  	[bflag:$0x0] =	sbarrier.arrive $0xFFFF;
	(pc) =	sbr.rel @p0 .LBB2_1-.Ltmp2, $4  }
0x9a: {  	[hbm:s11], [sflag:s6] =	dma.local [spmem:s13], $0x2800  }
0x9b: {  	_ =	swait.ge [sflag:s14], $0x2800  }
0x9c: {  	[sflag:s14] =	ssyncset.done $0x0  }
0x9d: {  	[sflag:s14] =	ssyncadd.s32 $0xFFFFD800  }
0x9e: {  	_ =	sfence.sel $0x180000  }
0x9f: {  	[bflag:$0x0] =	sbarrier.arrive $0xFFFF  }
0xa0: {  	p0 =	sne.s32 s1, $0x0;
	_ =	strace $0x9000004A  }
0xa1: {  	s0 =	sadd.s32 @!p0 $0x100000, s0;
	[bflag:$0x2] =	sbarrier.arrive $0xFFFF  }
0xa2: {  	[sflag:s0] =	ssyncadd.tile.s32 @!p0 $0x1;
	_ =	shalt  }
.Lfunc_end2:
_tile_overlayer_lowered:
.L_overlay_start_2:
0xa3: {  	(tag) =	ssettag $0x2  }
0xa4: {  	s0 =	rddreg [dreg:$0x0];
	s2 =	stileid.u32  }
0xa5: {  	s1 =	rddreg [dreg:$0x1];
	p0 =	sne.s32 s2, $0x0  }
0xa6: {  	s3 =	rddreg [dreg:$0x2];
	[bflag:$0x3] =	sbarrier.arrive $0xFFFF;
	s2 =	simm.s32 @!p0 $0x1C05  }
0xa7: {  	[timem:s3], [sflag:s2] =	dma.local @!p0 [hbm:s0], s1  }
0xa8: {  	s0 =	simm.s32 @!p0 $0x5  }
0xa9: {  	_ =	swait.ge @!p0 [sflag:s0], s1  }
0xaa: {  	s1 =	ssub.s32 @!p0 $0x0, s1;
	[sflag:s0] =	ssyncset.done @!p0 $0x0  }
0xab: {  	[sflag:s0] =	ssyncadd.s32 @!p0 s1  }
0xac: {  	[bflag:$0x3] =	sbarrier.arrive $0xFFFF  }
0xad: {  	_ =	shalt  }

// kernel: kernel.7.cloned.1.call-start
scs
__scs_entry_jumppad:
0x0: {  	(pc) =	sbr.rel $0x88, $3  }
0x1: {  	(tag) =	ssettag $0x0;
	lr =	simm.s32 $0x1  }
0x2: {  	[smem:$0x3F91] =	sst lr;
	_ =	strace $0xD0000000  }
0x3: {  	_ = 	snop  }
0x4: {  	_ = 	snop  }
0x5: {  	_ = 	snop  }
0x6: {  	_ = 	snop  }
0x7: {  	_ = 	snop  }
__scs_overlays_trampoline_lowered:
0x8: {  	[smem:$0x3FA0] =	sst s0  }
0x9: {  	[smem:$0x3FA1] =	sst s1  }
0xa: {  	[smem:$0x3FA2] =	sst s2  }
0xb: {  	[smem:$0x3FA3] =	sst s3  }
0xc: {  	[smem:$0x3FA4] =	sst s4  }
0xd: {  	[smem:$0x3FA5] =	sst s5  }
0xe: {  	[smem:$0x3FA6] =	sst s6  }
0xf: {  	[smem:$0x3FA7] =	sst s7  }
0x10: {  	[smem:$0x3FA8] =	sst s8  }
0x11: {  	[smem:$0x3FA9] =	sst s9;
	s0 =	simm.s32 @!p0 $0x0  }
0x12: {  	s1 =	sld [smem:$0x3F8F];
	s0 =	simm.s32 @p0 $0x1  }
0x13: {  	[smem:$0x3FAA] =	sst s0;
	s0 =	simm.s32 @!p1 $0x0  }
0x14: {  	s2 =	sld [smem:$0x3F8E];
	s0 =	simm.s32 @p1 $0x1  }
0x15: {  	[smem:$0x3FAB] =	sst s0;
	s0 =	simm.s32 @!p2 $0x0  }
0x16: {  	s3 =	sld [smem:$0x3FDB];
	s0 =	simm.s32 @p2 $0x1  }
0x17: {  	s4 =	simm.s32 $0x1BF5;
	[smem:$0x3FAD] =	sst s0  }
0x18: {  	s0 =	sld [smem:$0x3F90];
	_ =	swait.ge [sflag:s4], $0x0  }
0x19: {  	s7 =	sld [smem:$0x3F91]  }
0x1a: {  	s8 =	sadd.s32 $0xFFFFE003, lr  }
0x1b: {  	s9 =	sadd.s32 $0xFFFFFEF7, lr;
	s5 =	simm.s32 $0xFFFFFFFF;
	p2 =	slt.u32 s8, $0xFFFFF086  }
0x1c: {  	p1 =	slt.u32 s9, $0xF7A;
	s5 =	simm.s32 @!p2 $0x0  }
0x1d: {  	s5 =	simm.s32 @p1 $0x1;
	p0 =	seq.s32 s7, s2  }
0x1e: {  	s7 =	smul.u32 @!p0 $0xF7A, s2;
	p2 =	seq.s32 @!p0 s5, $0x0  }
0x1f: {  	s9 =	smul.u32 $0xF7A, s1;
	s8 =	simm.s32 @!p0 $0x1BF5;
	p2 =	por !p2, p0  }
0x20: {  	[sflag:s8] =	ssyncset.s32 @!p0 $0xFFFFF086;
	s6 =	sadd.s32 @!p0 s3, s7;
	s7 =	simm.s32 @!p0 $0x108  }
0x21: {  	s3 =	sadd.s32 s3, s9;
	s6 =	sadd.s32 @!p0 $0x88, s6;
	s7 =	simm.s32 @p2 $0x1082  }
0x22: {  	[simem:s7], [sflag:s8] =	dma.local @!p0 [hbm:s6], $0xF7A  }
0x23: {  	s9 =	sor.u32 $0xD0000000, s2;
	s6 =	simm.s32 $0x108;
	_ =	swait.ge @!p0 [sflag:s8], $0x0  }
0x24: {  	s3 =	sadd.s32 $0x88, s3;
	s6 =	simm.s32 @!p1 $0x1082;
	[sflag:s4] =	ssyncset.s32 $0xFFFFF086  }
0x25: {  	[simem:s6], [sflag:s4] =	dma.local [hbm:s3], $0xF7A  }
0x26: {  	[smem:$0x3F91] =	sst s1;
	(tag) =	ssettag s2;
	_ =	strace s9  }
0x27: {  	s1 =	sld [smem:$0x3FA1]  }
0x28: {  	s2 =	sld [smem:$0x3FA2]  }
0x29: {  	s4 =	sld [smem:$0x3FA4]  }
0x2a: {  	p0 =	seq.s32 s5, $0x0;
	s5 =	sld [smem:$0x3FA5]  }
0x2b: {  	s6 =	sld [smem:$0x3FA6]  }
0x2c: {  	s7 =	sld [smem:$0x3FA7]  }
0x2d: {  	s3 =	simm.s32 $0x108;
	s8 =	sld [smem:$0x3FA8]  }
0x2e: {  	s3 =	simm.s32 @!p0 $0x1082;
	s9 =	sld [smem:$0x3FA9]  }
0x2f: {  	lr =	sadd.s32 s0, s3;
	s0 =	sld [smem:$0x3FA0]  }
0x30: {  	s3 =	sld [smem:$0x3FA3]  }
0x31: {  	[smem:$0x3FAC] =	sst s10  }
0x32: {  	s10 =	sld [smem:$0x3FAA];
	_ =	sdelay $0x3  }
0x33: {  	p0 =	seq.s32 s10, $0x1;
	s10 =	sld [smem:$0x3FAC];
	_ =	sdelay $0x3  }
0x34: {  	[smem:$0x3FAC] =	sst s10  }
0x35: {  	s10 =	sld [smem:$0x3FAB];
	_ =	sdelay $0x3  }
0x36: {  	p1 =	seq.s32 s10, $0x1;
	s10 =	sld [smem:$0x3FAC];
	_ =	sdelay $0x3  }
0x37: {  	[smem:$0x3FAC] =	sst s10  }
0x38: {  	s10 =	sld [smem:$0x3FAD]  }
0x39: {  	_ = 	snop;
	(pc) =	sbr.ind lr, $3  }
0x3a: {  	_ = 	snop  }
0x3b: {  	_ = 	snop  }
0x3c: {  	p2 =	seq.s32 s10, $0x1;
	s10 =	sld [smem:$0x3FAC]  }
0x3d: {  	_ =	shalt  }
0x3e: {  	_ =	shalt  }
0x3f: {  	_ =	shalt  }
0x40: {  	_ =	shalt  }
0x41: {  	_ =	shalt  }
0x42: {  	_ =	shalt  }
0x43: {  	_ =	shalt  }
0x44: {  	_ =	shalt  }
0x45: {  	_ =	shalt  }
0x46: {  	_ =	shalt  }
0x47: {  	_ =	shalt  }
0x48: {  	_ =	shalt  }
0x49: {  	_ =	shalt  }
0x4a: {  	_ =	shalt  }
0x4b: {  	_ =	shalt  }
0x4c: {  	_ =	shalt  }
0x4d: {  	_ =	shalt  }
0x4e: {  	_ =	shalt  }
0x4f: {  	_ =	shalt  }
0x50: {  	_ =	shalt  }
0x51: {  	_ =	shalt  }
0x52: {  	_ =	shalt  }
0x53: {  	_ =	shalt  }
0x54: {  	_ =	shalt  }
0x55: {  	_ =	shalt  }
0x56: {  	_ =	shalt  }
0x57: {  	_ =	shalt  }
0x58: {  	_ =	shalt  }
0x59: {  	_ =	shalt  }
0x5a: {  	_ =	shalt  }
0x5b: {  	_ =	shalt  }
0x5c: {  	_ =	shalt  }
0x5d: {  	_ =	shalt  }
0x5e: {  	_ =	shalt  }
0x5f: {  	_ =	shalt  }
0x60: {  	_ =	shalt  }
0x61: {  	_ =	shalt  }
0x62: {  	_ =	shalt  }
0x63: {  	_ =	shalt  }
0x64: {  	_ =	shalt  }
0x65: {  	_ =	shalt  }
0x66: {  	_ =	shalt  }
0x67: {  	_ =	shalt  }
0x68: {  	_ =	shalt  }
0x69: {  	_ =	shalt  }
0x6a: {  	_ =	shalt  }
0x6b: {  	_ =	shalt  }
0x6c: {  	_ =	shalt  }
0x6d: {  	_ =	shalt  }
0x6e: {  	_ =	shalt  }
0x6f: {  	_ =	shalt  }
0x70: {  	_ =	shalt  }
0x71: {  	_ =	shalt  }
0x72: {  	_ =	shalt  }
0x73: {  	_ =	shalt  }
0x74: {  	_ =	shalt  }
0x75: {  	_ =	shalt  }
0x76: {  	_ =	shalt  }
0x77: {  	_ =	shalt  }
0x78: {  	_ =	shalt  }
0x79: {  	_ =	shalt  }
0x7a: {  	_ =	shalt  }
0x7b: {  	_ =	shalt  }
0x7c: {  	_ =	shalt  }
0x7d: {  	_ =	shalt  }
0x7e: {  	_ =	shalt  }
0x7f: {  	_ =	shalt  }
0x80: {  	_ =	shalt  }
0x81: {  	_ =	shalt  }
0x82: {  	_ =	shalt  }
0x83: {  	_ =	shalt  }
0x84: {  	_ =	shalt  }
0x85: {  	_ =	shalt  }
0x86: {  	_ =	shalt  }
0x87: {  	_ =	shalt  }
.Lfunc_end0:
.L_simem_size_0:
called_computation_lowered:
.L_overlay_start_0:
0x88: {  	s2 =	sld [smem:$0x3FD9]  }
0x89: {  	s3 =	sld [smem:$0x3FFE];
	_ =	sdelay $0x1  }
0x8a: {  	s1 =	srdreg.scid  }
0x8b: {  	s0 =	sand.u32 $0x1, s1  }
0x8c: {  	s17 =	sshll.u32 s0, $0xA;
	s2 =	sadd.s32 s3, s2  }
0x8d: {  	s2 =	sadd.s32 s2, s17  }
0x8e: {  	[smem:$0x3FB8] =	sst s2  }
0x8f: {  	_ = 	snop  }
0x90: {  	s2 =	sld [smem:$0x3FC9];
	(tm) =	ssettm $0x1  }
0x91: {  	s18 =	sld [smem:$0x3FFB];
	_ =	sdelay $0x3  }
0x92: {  	_ =	strace s18  }
0x93: {  	s3 =	sld [smem:$0x3FFC];
	_ =	sdelay $0x3  }
0x94: {  	_ =	strace s3  }
0x95: {  	s3 =	sld [smem:$0x3FFD];
	_ =	sdelay $0x3  }
0x96: {  	_ =	strace s3  }
0x97: {  	_ =	strace $0x8FFFFFFF  }
0x98: {  	s19 =	sld [smem:$0x3FDB];
	_ =	sdelay $0x1  }
0x99: {  	s4 =	simm.s32 $_scs_section_size  }
0x9a: {  	s5 =	simm.s32 $_size__tile_overlayer_lowered;
	s6 =	simm.s32 $_tile_overlayer_lowered  }
0x9b: {  	s22 =	simm.s32 $0x1BFF;
	s21 =	sshll.u32 s6, $0x1;
	s3 =	sadd.s32 s4, s19  }
0x9c: {  	s7 =	simm.s32 $0x0;
	s20 =	sshll.u32 s5, $0x1;
	s5 =	sadd.s32 s21, s3  }
0x9d: {  	[timem:s7], [sflag:s22] =	dma.local [hbm:s5], s20  }
0x9e: {  	_ =	swait.ge [sflag:s22], s20  }
0x9f: {  	s4 =	ssub.s32 $0x0, s20;
	[sflag:s22] =	ssyncset.done $0x0  }
0xa0: {  	[sflag:s22] =	ssyncadd.s32 s4;
	_ =	sdelay $0x1  }
0xa1: {  	s23 =	simm.s32 $0x1B8B  }
0xa2: {  	_ =	swait.ge [sflag:s23], $0x1  }
0xa3: {  	[sflag:s23] =	ssyncset.done $0x0  }
0xa4: {  	s25 =	simm.s32 $0x1B8E;
	s24 =	sld [smem:$0x3FFE];
	[sflag:s23] =	ssyncadd.s32 $0xFFFFFFFF  }
0xa5: {  	s26 =	simm.s32 $execute0_lowered;
	[smem:$0x3FD2] =	sst s25  }
0xa6: {  	s5 =	sshll.u32 s26, $0x1;
	_ =	strace $0x80000046;
	[dreg:$0x1] =	wrdreg $0xFFFFFFFF  }
0xa7: {  	s28 =	simm.s32 $_size_execute0_lowered;
	s3 =	sadd.s32 s3, s5;
	[dreg:$0x0] =	wrdreg $0x0  }
0xa8: {  	s5 =	sshll.u32 s28, $0x1;
	[dreg:$0x2] =	wrdreg s3  }
0xa9: {  	[dreg:$0x3] =	wrdreg s5  }
0xaa: {  	[dreg:$0x4] =	wrdreg $0xC0  }
0xab: {  	_ =	task [dreg:s7], $0x5FFFF  }
0xac: {  	[dreg:$0x1] =	wrdreg $0xFFFFFFFF  }
0xad: {  	[dreg:$0x0] =	wrdreg $0x60  }
0xae: {  	[dreg:$0x2] =	wrdreg s2  }
0xaf: {  	[dreg:$0x3] =	wrdreg s24  }
0xb0: {  	[dreg:$0x4] =	wrdreg $0xA8000  }
0xb1: {  	[dreg:$0x5] =	wrdreg $0x9  }
0xb2: {  	_ =	task.clear_ibuf [dreg:s7], $0x6FFFF;
	_ =	strace $0x90000046  }
0xb3: {  	s29 =	simm.s32 $0x9;
	_ =	strace $0x80000048  }
0xb4: {  	_ =	swait.ge [sflag:s29], $0x1  }
0xb5: {  	[sflag:s29] =	ssyncadd.s32 $0xFFFFFFFF  }
0xb6: {  	_ =	strace $0x90000048  }
0xb7: {  	_ =	sfence  }
0xb8: {  	s30 =	sld [smem:$0x0];
	_ =	sdelay $0x2  }
0xb9: {  	s31 =	sshll.u32 s1, $0xD;
	s1 =	sshrl.u32 s1, $0x2  }
0xba: {  	s3 =	sand.u32 $0x4000, s31;
	s1 =	sadd.s32 s1, s30  }
0xbb: {  	s0 =	sor.u32 s3, s0;
	s1 =	sshll.u32 s1, $0x11  }
0xbc: {  	s0 =	sor.u32 s1, s0  }
0xbd: {  	s0 =	sadd.s32 $0x8F2B, s0  }
0xbe: {  	[sflag:s0] =	ssyncadd.remote.s32 $0x1  }
0xbf: {  	_ =	sfence.sel $0xFFFF  }
0xc0: {  	[dreg:$0x0] =	wrdreg $0xFFFFFFFF;
	(pc) =	sbr.abs _section_cstart, $3  }
0xc1: {  	[dreg:$0x1] =	wrdreg $0xFFFFFFFF  }
0xc2: {  	_ =	task.clear_ibuf [dreg:s7], $0x2FFFF;
	_ =	strace $0x9FFFFFFF  }
0xc3: {  	(tm) =	ssettm $0x7FFFFFFF  }
tec
execute0_lowered:
.L_overlay_start_1:
0x0: {  	(tag) =	ssettag $0x1  }
0x1: {  	s2 =	rddreg [dreg:$0x0]  }
0x2: {  	s5 =	rddreg [dreg:$0x1]  }
0x3: {  	s3 =	rddreg [dreg:$0x2]  }
0x4: {  	s0 =	rddreg [dreg:$0x3];
	s1 =	stileid.u32  }
0x5: {  	s6 =	srdreg.scid;
	s4 =	simm.s32 $0x0;
	s16 =	simm.s32 $0x7D  }
0x6: {  	s17 =	simm.s32 $0x2800;
	s18 =	simm.s32 $0x1;
	s19 =	simm.s32 $0x6800  }
0x7: {  	s20 =	simm.s32 $0x3;
	s21 =	simm.s32 $0x2;
	s22 =	simm.s32 $0x4  }
0x8: {  	s23 =	simm.s32 $0x1380;
	s24 =	simm.s32 $0x2700;
	s7 =	smul.u32 $0x14000, s1  }
0x9: {  	s6 =	sand.u32 $0x1, s6;
	[smem:$0x7FF] =	sst s4;
	s9 =	sadd.s32 $0x2A00, s5  }
0xa: {  	s11 =	sadd.s32 $0xCA00, s5;
	s25 =	smul.u32 $0x50000, s1;
	s30 =	sshll.u32 s1, $0x6  }
0xb: {  	s8 =	smul.u32 $0x140000, s6;
	_ =	strace $0x80000047;
	s12 =	sshll.u32 s6, $0x4  }
0xc: {  	s26 =	ssub.s32 $0x2, s6;
	s6 =	sor.u32 $0x1C05, s30;
	s10 =	sshrl.u32 s7, $0x3  }
0xd: {  	s28 =	sor.u32 s1, s12;
	s29 =	sshrl.u32 s26, $0x1;
	s10 =	sadd.s32 s10, s5  }
0xe: {  	s7 =	sadd.s32 s7, s8;
	s8 =	sshrl.u32 s25, $0x2;
	s12 =	smul.u32 $0x2800, s28  }
0xf: {  	s14 =	ssub.s32 s26, s29;
	s25 =	simm.s32 $0x2780;
	s7 =	sshrl.u32 s7, $0x3  }
0x10: {  	s26 =	simm.s32 $0x0;
	s15 =	sadd.s32 s8, s3;
	s13 =	sadd.s32 s7, s5  }
0x11: {  	s5 =	sadd.s32 $0x16A00, s10;
	s31 =	sshrl.u32 s12, $0x3;
	s12 =	smax.u32 s14, $0x1  }
0x12: {  	s14 =	simm.s32 $0x5;
	s7 =	sadd.s32 s9, s31;
	s10 =	sadd.s32 $0x280, s31  }
0x13: {  	s8 =	sadd.s32 s11, s31;
	s9 =	sadd.s32 s9, s10;
	s10 =	sadd.s32 s11, s10  }
0x14: {  	s11 =	sadd.s32 $0x3EA00, s13;
	s13 =	sshrl.u32 s15, $0x3;
	s15 =	simm.s32 $0x1400  }
.LBB2_1:
0x15: {  	[spmem:s13], [sflag:s6] =	dma.local [hbm:s5], $0x2800  }
0x16: {  	_ =	swait.ge [sflag:s14], $0x2800  }
0x17: {  	[sflag:s14] =	ssyncset.done $0x0  }
0x18: {  	[sflag:s14] =	ssyncadd.s32 $0xFFFFD800  }
0x19: {  	[bflag:$0x0] =	sbarrier.arrive $0xFFFF  }
0x1a: {  	[tilespmem:s4], [sflag:$0x5] =	stream.linear.gather [hbm4b:s7+s4], $0x1400, $0x38;
	[tilespmem:$0x1E800] =	vst v63  }
0x1b: {  	_ =	swait.ge [sflag:s14], $0x1400  }
0x1c: {  	[sflag:s14] =	ssyncset.done $0x0  }
0x1d: {  	[sflag:s14] =	ssyncadd.s32 $0xFFFFEC00  }
0x1e: {  	[tilespmem:s15], [sflag:$0x5] =	stream.linear.gather [hbm4b:s8+s4], $0x1400, $0x38;
	[tilespmem:$0x1E800] =	vst v63  }
0x1f: {  	_ =	swait.ge [sflag:s14], $0x1400  }
0x20: {  	[sflag:s14] =	ssyncset.done $0x0  }
0x21: {  	[sflag:s14] =	ssyncadd.s32 $0xFFFFEC00  }
0x22: {  	[tilespmem:s17], [sflag:$0x1] =	stream.indirect.gather [hbm4b:s2+s16], $0x80, s4, s16, $0xb8;
	[tilespmem:$0x1E800] =	vst v63  }
0x23: {  	_ =	swait.ge [sflag:s18], $0x3E80  }
0x24: {  	[sflag:s18] =	ssyncset.done $0x0  }
0x25: {  	s28 =	simm.s32 $0x80;
	[sflag:s18] =	ssyncadd.s32 $0xFFFFC180  }
0x26: {  	[tilespmem:s19], [sflag:$0x2] =	stream.indirect.gather [hbm4b:s2+s16], $0x80, s28, s16, $0xb8;
	[tilespmem:$0x1E800] =	vst v63  }
0x27: {  	s28 =	simm.s32 $0x1400  }
0x28: {  	[spmem:s3] =	stream.indirect.scatter.add.f32 [tilespmem:s17], [sflag:$0x3], $0x80, s28, s16, $0xb8;
	[tilespmem:$0x1E800] =	vst v63  }
0x29: {  	_ =	swait.ge [sflag:s20], $0x3E80  }
0x2a: {  	[sflag:s20] =	ssyncset.done $0x0  }
0x2b: {  	[sflag:s20] =	ssyncadd.s32 $0xFFFFC180  }
0x2c: {  	_ =	swait.ge [sflag:s21], $0x3E80  }
0x2d: {  	[sflag:s21] =	ssyncset.done $0x0  }
0x2e: {  	s28 =	simm.s32 $0x100;
	[sflag:s21] =	ssyncadd.s32 $0xFFFFC180  }
0x2f: {  	[tilespmem:s17], [sflag:$0x1] =	stream.indirect.gather [hbm4b:s2+s16], $0x80, s28, s16, $0xb8;
	[tilespmem:$0x1E800] =	vst v63  }
0x30: {  	s28 =	simm.s32 $0x1480  }
0x31: {  	[spmem:s3] =	stream.indirect.scatter.add.f32 [tilespmem:s19], [sflag:$0x4], $0x80, s28, s16, $0xb8;
	[tilespmem:$0x1E800] =	vst v63  }
0x32: {  	_ =	swait.ge [sflag:s22], $0x3E80  }
0x33: {  	s28 =	simm.s32 $0x400;
	[sflag:s22] =	ssyncset.done $0x0  }
.LBB2_2:
0x34: {  	p0 =	sne.s32 s28, $0x4800  }
0x35: {  	[sflag:s22] =	ssyncadd.s32 $0xFFFFC180;
	s29 =	smov.u32 s28;
	s28 =	sadd.s32 $0x400, s28  }
0x36: {  	_ = 	snop  }
0x37: {  	_ =	swait.ge [sflag:s18], $0x3E80  }
0x38: {  	s29 =	sshra.s32 s29, $0x2;
	[sflag:s18] =	ssyncset.done $0x0  }
0x39: {  	s30 =	sadd.s32 $0x80, s29;
	[sflag:s18] =	ssyncadd.s32 $0xFFFFC180  }
0x3a: {  	[tilespmem:s19], [sflag:$0x2] =	stream.indirect.gather [hbm4b:s2+s16], $0x80, s30, s16, $0xb8;
	[tilespmem:$0x1E800] =	vst v63  }
0x3b: {  	s30 =	sadd.s32 $0x1400, s29  }
0x3c: {  	[spmem:s3] =	stream.indirect.scatter.add.f32 [tilespmem:s17], [sflag:$0x3], $0x80, s30, s16, $0xb8;
	[tilespmem:$0x1E800] =	vst v63  }
0x3d: {  	_ =	swait.ge [sflag:s20], $0x3E80  }
0x3e: {  	[sflag:s20] =	ssyncset.done $0x0  }
0x3f: {  	[sflag:s20] =	ssyncadd.s32 $0xFFFFC180  }
0x40: {  	_ =	swait.ge [sflag:s21], $0x3E80  }
0x41: {  	[sflag:s21] =	ssyncset.done $0x0  }
0x42: {  	s30 =	sadd.s32 $0x100, s29;
	[sflag:s21] =	ssyncadd.s32 $0xFFFFC180  }
0x43: {  	[tilespmem:s17], [sflag:$0x1] =	stream.indirect.gather [hbm4b:s2+s16], $0x80, s30, s16, $0xb8;
	[tilespmem:$0x1E800] =	vst v63  }
.Ltmp0:
0x44: {  	_ = 	snop;
	(pc) =	sbr.rel @p0 .LBB2_2-.Ltmp0, $4  }
0x45: {  	s29 =	sadd.s32 $0x1480, s29  }
0x46: {  	[spmem:s3] =	stream.indirect.scatter.add.f32 [tilespmem:s19], [sflag:$0x4], $0x80, s29, s16, $0xb8;
	[tilespmem:$0x1E800] =	vst v63  }
0x47: {  	_ =	swait.ge [sflag:s22], $0x3E80  }
0x48: {  	[sflag:s22] =	ssyncset.done $0x0  }
0x49: {  	[sflag:s22] =	ssyncadd.s32 $0xFFFFC180  }
0x4a: {  	_ =	swait.ge [sflag:s18], $0x3E80  }
0x4b: {  	[sflag:s18] =	ssyncset.done $0x0  }
0x4c: {  	[sflag:s18] =	ssyncadd.s32 $0xFFFFC180  }
0x4d: {  	[tilespmem:s19], [sflag:$0x2] =	stream.indirect.gather [hbm4b:s2+s16], $0x80, s23, s16, $0xb8;
	[tilespmem:$0x1E800] =	vst v63  }
0x4e: {  	_ = 	snop  }
0x4f: {  	[spmem:s3] =	stream.indirect.scatter.add.f32 [tilespmem:s17], [sflag:$0x3], $0x80, s24, s16, $0xb8;
	[tilespmem:$0x1E800] =	vst v63  }
0x50: {  	_ =	swait.ge [sflag:s20], $0x3E80  }
0x51: {  	[sflag:s20] =	ssyncset.done $0x0  }
0x52: {  	[sflag:s20] =	ssyncadd.s32 $0xFFFFC180  }
0x53: {  	_ =	swait.ge [sflag:s21], $0x3E80  }
0x54: {  	[sflag:s21] =	ssyncset.done $0x0  }
0x55: {  	[sflag:s21] =	ssyncadd.s32 $0xFFFFC180  }
0x56: {  	[spmem:s3] =	stream.indirect.scatter.add.f32 [tilespmem:s19], [sflag:$0x4], $0x80, s25, s16, $0xb8;
	[tilespmem:$0x1E800] =	vst v63  }
0x57: {  	_ =	swait.ge [sflag:s22], $0x3E80  }
0x58: {  	[sflag:s22] =	ssyncset.done $0x0  }
0x59: {  	s28 =	simm.s32 $0x0;
	[sflag:s22] =	ssyncadd.s32 $0xFFFFC180  }
0x5a: {  	[tilespmem:s28], [sflag:$0x5] =	stream.linear.gather [hbm4b:s9+s28], $0x1400, $0x38;
	[tilespmem:$0x1E800] =	vst v63  }
0x5b: {  	_ =	swait.ge [sflag:s14], $0x1400  }
0x5c: {  	[sflag:s14] =	ssyncset.done $0x0  }
0x5d: {  	[sflag:s14] =	ssyncadd.s32 $0xFFFFEC00  }
0x5e: {  	[tilespmem:s15], [sflag:$0x5] =	stream.linear.gather [hbm4b:s10+s28], $0x1400, $0x38;
	[tilespmem:$0x1E800] =	vst v63  }
0x5f: {  	_ =	swait.ge [sflag:s14], $0x1400  }
0x60: {  	[sflag:s14] =	ssyncset.done $0x0  }
0x61: {  	[sflag:s14] =	ssyncadd.s32 $0xFFFFEC00  }
0x62: {  	[tilespmem:s17], [sflag:$0x1] =	stream.indirect.gather [hbm4b:s2+s16], $0x80, s28, s16, $0xb8;
	[tilespmem:$0x1E800] =	vst v63  }
0x63: {  	_ =	swait.ge [sflag:s18], $0x3E80  }
0x64: {  	[sflag:s18] =	ssyncset.done $0x0  }
0x65: {  	s28 =	simm.s32 $0x80;
	[sflag:s18] =	ssyncadd.s32 $0xFFFFC180  }
0x66: {  	[tilespmem:s19], [sflag:$0x2] =	stream.indirect.gather [hbm4b:s2+s16], $0x80, s28, s16, $0xb8;
	[tilespmem:$0x1E800] =	vst v63  }
0x67: {  	s28 =	simm.s32 $0x1400  }
0x68: {  	[spmem:s3] =	stream.indirect.scatter.add.f32 [tilespmem:s17], [sflag:$0x3], $0x80, s28, s16, $0xb8;
	[tilespmem:$0x1E800] =	vst v63  }
0x69: {  	_ =	swait.ge [sflag:s20], $0x3E80  }
0x6a: {  	[sflag:s20] =	ssyncset.done $0x0  }
0x6b: {  	[sflag:s20] =	ssyncadd.s32 $0xFFFFC180  }
0x6c: {  	_ =	swait.ge [sflag:s21], $0x3E80  }
0x6d: {  	[sflag:s21] =	ssyncset.done $0x0  }
0x6e: {  	s28 =	simm.s32 $0x100;
	[sflag:s21] =	ssyncadd.s32 $0xFFFFC180  }
0x6f: {  	[tilespmem:s17], [sflag:$0x1] =	stream.indirect.gather [hbm4b:s2+s16], $0x80, s28, s16, $0xb8;
	[tilespmem:$0x1E800] =	vst v63  }
0x70: {  	s28 =	simm.s32 $0x1480  }
0x71: {  	[spmem:s3] =	stream.indirect.scatter.add.f32 [tilespmem:s19], [sflag:$0x4], $0x80, s28, s16, $0xb8;
	[tilespmem:$0x1E800] =	vst v63  }
0x72: {  	_ =	swait.ge [sflag:s22], $0x3E80  }
0x73: {  	s28 =	simm.s32 $0x400;
	[sflag:s22] =	ssyncset.done $0x0  }
.LBB2_4:
0x74: {  	p0 =	sne.s32 s28, $0x4800  }
0x75: {  	[sflag:s22] =	ssyncadd.s32 $0xFFFFC180;
	s29 =	smov.u32 s28;
	s28 =	sadd.s32 $0x400, s28  }
0x76: {  	_ = 	snop  }
0x77: {  	_ =	swait.ge [sflag:s18], $0x3E80  }
0x78: {  	s29 =	sshra.s32 s29, $0x2;
	[sflag:s18] =	ssyncset.done $0x0  }
0x79: {  	s30 =	sadd.s32 $0x80, s29;
	[sflag:s18] =	ssyncadd.s32 $0xFFFFC180  }
0x7a: {  	[tilespmem:s19], [sflag:$0x2] =	stream.indirect.gather [hbm4b:s2+s16], $0x80, s30, s16, $0xb8;
	[tilespmem:$0x1E800] =	vst v63  }
0x7b: {  	s30 =	sadd.s32 $0x1400, s29  }
0x7c: {  	[spmem:s3] =	stream.indirect.scatter.add.f32 [tilespmem:s17], [sflag:$0x3], $0x80, s30, s16, $0xb8;
	[tilespmem:$0x1E800] =	vst v63  }
0x7d: {  	_ =	swait.ge [sflag:s20], $0x3E80  }
0x7e: {  	[sflag:s20] =	ssyncset.done $0x0  }
0x7f: {  	[sflag:s20] =	ssyncadd.s32 $0xFFFFC180  }
0x80: {  	_ =	swait.ge [sflag:s21], $0x3E80  }
0x81: {  	[sflag:s21] =	ssyncset.done $0x0  }
0x82: {  	s30 =	sadd.s32 $0x100, s29;
	[sflag:s21] =	ssyncadd.s32 $0xFFFFC180  }
0x83: {  	[tilespmem:s17], [sflag:$0x1] =	stream.indirect.gather [hbm4b:s2+s16], $0x80, s30, s16, $0xb8;
	[tilespmem:$0x1E800] =	vst v63  }
.Ltmp1:
0x84: {  	_ = 	snop;
	(pc) =	sbr.rel @p0 .LBB2_4-.Ltmp1, $4  }
0x85: {  	s29 =	sadd.s32 $0x1480, s29  }
0x86: {  	[spmem:s3] =	stream.indirect.scatter.add.f32 [tilespmem:s19], [sflag:$0x4], $0x80, s29, s16, $0xb8;
	[tilespmem:$0x1E800] =	vst v63  }
0x87: {  	_ =	swait.ge [sflag:s22], $0x3E80  }
0x88: {  	[sflag:s22] =	ssyncset.done $0x0  }
0x89: {  	[sflag:s22] =	ssyncadd.s32 $0xFFFFC180  }
0x8a: {  	_ =	swait.ge [sflag:s18], $0x3E80  }
0x8b: {  	[sflag:s18] =	ssyncset.done $0x0  }
0x8c: {  	[sflag:s18] =	ssyncadd.s32 $0xFFFFC180  }
0x8d: {  	[tilespmem:s19], [sflag:$0x2] =	stream.indirect.gather [hbm4b:s2+s16], $0x80, s23, s16, $0xb8;
	[tilespmem:$0x1E800] =	vst v63  }
0x8e: {  	_ = 	snop  }
0x8f: {  	[spmem:s3] =	stream.indirect.scatter.add.f32 [tilespmem:s17], [sflag:$0x3], $0x80, s24, s16, $0xb8;
	[tilespmem:$0x1E800] =	vst v63  }
0x90: {  	_ =	swait.ge [sflag:s20], $0x3E80  }
0x91: {  	[sflag:s20] =	ssyncset.done $0x0  }
0x92: {  	[sflag:s20] =	ssyncadd.s32 $0xFFFFC180  }
0x93: {  	_ =	swait.ge [sflag:s21], $0x3E80  }
0x94: {  	[sflag:s21] =	ssyncset.done $0x0  }
0x95: {  	[sflag:s21] =	ssyncadd.s32 $0xFFFFC180  }
0x96: {  	[spmem:s3] =	stream.indirect.scatter.add.f32 [tilespmem:s19], [sflag:$0x4], $0x80, s25, s16, $0xb8;
	[tilespmem:$0x1E800] =	vst v63  }
0x97: {  	_ =	swait.ge [sflag:s22], $0x3E80  }
0x98: {  	s26 =	sadd.s32 $0x1, s26;
	[sflag:s22] =	ssyncset.done $0x0  }
0x99: {  	p0 =	sne.s32 s26, s12;
	[sflag:s22] =	ssyncadd.s32 $0xFFFFC180  }
.Ltmp2:
0x9a: {  	[bflag:$0x0] =	sbarrier.arrive $0xFFFF;
	(pc) =	sbr.rel @p0 .LBB2_1-.Ltmp2, $4  }
0x9b: {  	[hbm:s11], [sflag:s6] =	dma.local [spmem:s13], $0x2800  }
0x9c: {  	_ =	swait.ge [sflag:s14], $0x2800  }
0x9d: {  	[sflag:s14] =	ssyncset.done $0x0  }
0x9e: {  	[sflag:s14] =	ssyncadd.s32 $0xFFFFD800  }
0x9f: {  	_ =	sfence.sel $0x180000  }
0xa0: {  	[bflag:$0x0] =	sbarrier.arrive $0xFFFF  }
0xa1: {  	p0 =	sne.s32 s1, $0x0;
	_ =	strace $0x90000047  }
0xa2: {  	s0 =	sadd.s32 @!p0 $0x100000, s0;
	[bflag:$0x2] =	sbarrier.arrive $0xFFFF  }
0xa3: {  	[sflag:s0] =	ssyncadd.tile.s32 @!p0 $0x1;
	_ =	shalt  }
.Lfunc_end2:
_tile_overlayer_lowered:
.L_overlay_start_2:
0xa4: {  	(tag) =	ssettag $0x2  }
0xa5: {  	s0 =	rddreg [dreg:$0x0];
	s2 =	stileid.u32  }
0xa6: {  	s1 =	rddreg [dreg:$0x1];
	p0 =	sne.s32 s2, $0x0  }
0xa7: {  	s3 =	rddreg [dreg:$0x2];
	[bflag:$0x3] =	sbarrier.arrive $0xFFFF;
	s2 =	simm.s32 @!p0 $0x1C05  }
0xa8: {  	[timem:s3], [sflag:s2] =	dma.local @!p0 [hbm:s0], s1  }
0xa9: {  	s0 =	simm.s32 @!p0 $0x5  }
0xaa: {  	_ =	swait.ge @!p0 [sflag:s0], s1  }
0xab: {  	s1 =	ssub.s32 @!p0 $0x0, s1;
	[sflag:s0] =	ssyncset.done @!p0 $0x0  }
0xac: {  	[sflag:s0] =	ssyncadd.s32 @!p0 s1  }
0xad: {  	[bflag:$0x3] =	sbarrier.arrive $0xFFFF  }
0xae: {  	_ =	shalt  }

</sc_bundles>
